<compile_context>
chip_gen: v7x
topology: tpu7x:2x2x1
jax: 0.10.2.dev20260603
libtpu: 0.0.44.dev20260713+nightly
codegen_flags: <defaults>
</compile_context>

<pallas_src>
import functools
import math

import jax
import jax.numpy as jnp
from jax import lax
from jax.experimental import pallas as pl
from jax.experimental.pallas import tpu as pltpu
from jax.experimental.pallas import tpu_sc as plsc

_SMOOTHING = 0.1


def _sc_main(output, labels_flat, S):
    B, V = output.shape
    info = plsc.get_sparse_core_info()
    NC, NS = info.num_cores, info.num_subcores
    NW = NC * NS
    RPT = B // NW
    SP = labels_flat.shape[0] // B
    NL = RPT * SP
    P = 50000
    NPC = V // P
    NP = RPT * NPC
    UN = 25
    NACC = 8

    mesh = plsc.VectorSubcoreMesh(core_axis_name="c", subcore_axis_name="s")

    @functools.partial(
        pl.kernel,
        mesh=mesh,
        out_type=(
            jax.ShapeDtypeStruct((NW * 16,), jnp.float32),
            jax.ShapeDtypeStruct((B * SP,), jnp.float32),
        ),
        compiler_params=pltpu.CompilerParams(use_tc_tiling_on_sc=False),
        scratch_types=[
            pltpu.VMEM((NL,), jnp.int32),
            pltpu.VMEM((NL,), jnp.float32),
            pltpu.VMEM((2 * P,), jnp.float32),
            pltpu.SemaphoreType.DMA,
            pltpu.SemaphoreType.DMA((2,)),
        ],
    )
    def skern(out_hbm, lab_hbm, part_hbm, vals_hbm, lab_v, vals_v, buf_v,
              gsem, sems):
        wid = lax.axis_index("s") * NC + lax.axis_index("c")
        base = wid * RPT

        pltpu.sync_copy(lab_hbm.at[pl.ds(base * SP, NL)], lab_v)
        for r in range(RPT):
            pltpu.async_copy(
                out_hbm.at[base + r].at[lab_v.at[pl.ds(r * SP, S)]],
                vals_v.at[pl.ds(r * SP, S)],
                gsem,
            )

        def piece_src(p):
            return out_hbm.at[base + p // NPC].at[pl.ds((p % NPC) * P, P)]

        pltpu.async_copy(piece_src(0), buf_v.at[pl.ds(0, P)], sems.at[0])

        def step(p, total):
            par = lax.rem(p, 2)
            nxt = lax.rem(p + 1, 2)
            pltpu.async_copy(
                piece_src(lax.rem(p + 1, NP)),
                buf_v.at[pl.ds(nxt * P, P)],
                sems.at[nxt],
            )
            pltpu.make_async_copy(
                piece_src(0), buf_v.at[pl.ds(0, P)], sems.at[par]
            ).wait()
            off0 = par * P
            zero = jnp.zeros((16,), jnp.float32)

            def inner(i, accs):
                o = off0 + i * (UN * 16)
                accs = list(accs)
                for j in range(UN):
                    accs[j % NACC] = accs[j % NACC] + buf_v[
                        pl.ds(o + j * 16, 16)
                    ]
                return tuple(accs)

            accs = lax.fori_loop(0, P // (UN * 16), inner, (zero,) * NACC)
            piece_total = accs[0]
            for a in accs[1:]:
                piece_total = piece_total + a
            return total + piece_total

        total = lax.fori_loop(0, NP, step, jnp.zeros((16,), jnp.float32))
        pltpu.make_async_copy(
            piece_src(0), buf_v.at[pl.ds(0, P)], sems.at[lax.rem(NP, 2)]
        ).wait()
        buf_v[pl.ds(0, 16)] = total
        pltpu.sync_copy(
            buf_v.at[pl.ds(0, 16)], part_hbm.at[pl.ds(wid * 16, 16)]
        )

        for r in range(RPT):
            pltpu.make_async_copy(
                out_hbm.at[0].at[lab_v.at[pl.ds(0, S)]],
                vals_v.at[pl.ds(0, S)],
                gsem,
            ).wait()
        pltpu.sync_copy(vals_v, vals_hbm.at[pl.ds(base * SP, NL)])

    return skern(output, labels_flat)


def _tc_sum(output, rows):
    B, V = output.shape
    BR = 32
    grid = rows // BR

    def body(out_ref, acc_ref):
        @pl.when(pl.program_id(0) == 0)
        def _init():
            acc_ref[0, 0] = jnp.float32(0.0)

        acc_ref[0, 0] += jnp.sum(out_ref[...])

    return pl.pallas_call(
        body,
        grid=(grid,),
        in_specs=[pl.BlockSpec((BR, V), lambda g: (g, 0))],
        out_specs=pl.BlockSpec(
            (1, 1), lambda g: (0, 0), memory_space=pltpu.SMEM
        ),
        out_shape=jax.ShapeDtypeStruct((1, 1), jnp.float32),
    )(output)


def _tc_combine(T, vals, batch_labels, B, V):
    S = batch_labels.shape[1]
    fill = _SMOOTHING / (V - S)
    lab = (1.0 - _SMOOTHING) / S
    c_base = B * V * fill * math.log(fill)
    c_per_d = lab * math.log(lab) - fill * math.log(fill)

    def body(t_ref, vals_ref, lab_ref, loss_ref):
        T = jnp.sum(t_ref[...])
        labels = lab_ref[...]
        col = lax.broadcasted_iota(jnp.int32, labels.shape, 1)
        dup = jnp.zeros(labels.shape, dtype=jnp.bool_)
        for s in range(1, S):
            sh = jnp.concatenate([labels[:, :s], labels[:, : S - s]], axis=1)
            dup = jnp.logical_or(dup, jnp.logical_and(labels == sh, col >= s))
        m = jnp.where(dup, jnp.float32(0.0), jnp.float32(1.0))
        D = jnp.sum(m)
        G = jnp.sum(m * vals_ref[...])
        loss_ref[0, 0] = (
            jnp.float32(c_base)
            + D * jnp.float32(c_per_d)
            - jnp.float32(fill) * T
            - jnp.float32(lab - fill) * G
        )

    return pl.pallas_call(
        body,
        in_specs=[
            pl.BlockSpec(T.shape, lambda: (0,) * len(T.shape)),
            pl.BlockSpec((B, S), lambda: (0, 0)),
            pl.BlockSpec((B, S), lambda: (0, 0)),
        ],
        out_specs=pl.BlockSpec(memory_space=pltpu.SMEM),
        out_shape=jax.ShapeDtypeStruct((1, 1), jnp.float32),
    )(T, vals, batch_labels)


def kernel(output, batch_labels):
    B, V = output.shape
    S = batch_labels.shape[1]
    SP = (S + 7) // 8 * 8
    labels_pad = jnp.pad(batch_labels, ((0, 0), (0, SP - S)))
    parts, vals = _sc_main(output, labels_pad.reshape(B * SP), S)
    loss = _tc_combine(
        parts.reshape(1, -1), vals.reshape(B, SP)[:, :S], batch_labels, B, V
    )
    return loss[0, 0]

# --- scband reference (transcript-rebuilt; emitter-appended) ---
"""Pipeline reference for scband-loss-compute-11269994185052 (READ-ONLY COPY).

The authoritative reference and input builder live on the scoring server;
editing this copy changes nothing except your own understanding.
"""

import jax, jax.numpy as jnp
import numpy as np

LEN_VOCAB = 100000
SMOOTHING = 0.1
BATCH = 1024
LABELS_PER_SAMPLE = 20


def setup_inputs(seed: int = 0) -> dict:
    key = jax.random.key(seed)
    k1, k2 = jax.random.split(key)
    # model output: log-probabilities (as expected by KLDivLoss)
    logits = jax.random.normal(k1, (BATCH, LEN_VOCAB), dtype=jnp.float32)
    output = jax.nn.log_softmax(logits, axis=-1)
    # each sample has a fixed-size set of target labels
    batch_labels = jax.random.randint(k2, (BATCH, LABELS_PER_SAMPLE), 0, LEN_VOCAB, dtype=jnp.int32)
    return {"output": output, "batch_labels": batch_labels}


def reference(output, batch_labels):
    B, V = output.shape
    len_set = batch_labels.shape[1]
    # dist.fill_(smoothing / (len_vocab - len_set))
    fill_val = SMOOTHING / (V - len_set)
    dist = jnp.full((B, V), fill_val, dtype=jnp.float32)
    # dist.scatter_(0, labels, (1 - smoothing) / len_set)  -- per row overwrite at label positions
    rows = jnp.arange(B, dtype=jnp.int32)[:, None]
    dist = dist.at[rows, batch_labels].set((1.0 - SMOOTHING) / len_set)
    # criterion = nn.KLDivLoss(reduction='sum'): sum(target * (log(target) - input))
    # xlogy handles target==0 -> 0 contribution, matching PyTorch semantics
    loss = jnp.sum(jax.scipy.special.xlogy(dist, dist) - dist * output)
    return loss

if __name__ == "__main__":
    import jax
    _d = setup_inputs()
    print(jax.jit(kernel)(*tuple(_d.values())))

</pallas_src>

<mosaic_0001>
#map = affine_map<(d0, d1) -> (0, 0)>
#map1 = affine_map<(d0, d1) -> (0)>
module attributes {stable_mosaic.version = 14 : i64} {
  func.func @skern(%arg0: i32, %arg1: i32, %arg2: memref<1024x100000xf32, #tpu.memory_space<hbm>>, %arg3: memref<24576xi32, #tpu.memory_space<hbm>>, %arg4: memref<512xf32, #tpu.memory_space<hbm>>, %arg5: memref<24576xf32, #tpu.memory_space<hbm>>, %arg6: memref<768xi32, #tpu.memory_space<vmem>>, %arg7: memref<768xf32, #tpu.memory_space<vmem>>, %arg8: memref<100000xf32, #tpu.memory_space<vmem>>, %arg9: memref<!tpu.dma_semaphore, #tpu.memory_space<semaphore_mem>>, %arg10: memref<2x!tpu.dma_semaphore, #tpu.memory_space<semaphore_mem>>) attributes {dimension_semantics = [#tpu.dimension_semantics<core_parallel>, #tpu.dimension_semantics<subcore_parallel>], iteration_bounds = array<i64: 2, 16>, scalar_prefetch = 0 : i64, scratch_operands = 5 : i64, tpu.core_type = #tpu.core_type<sc_vector_subcore>, window_params = [{transform_indices = #map}, {transform_indices = #map1}, {transform_indices = #map1}, {transform_indices = #map1}]} {
    %mul3A = arith.constant 2 : i32
    %mul3A_0 = arith.muli %arg1, %mul3A : i32
    %add3A = arith.addi %mul3A_0, %arg0 : i32
    %mul3A_1 = arith.constant 32 : i32
    %mul3A_2 = arith.muli %add3A, %mul3A_1 : i32
    %mul3A_3 = arith.constant 24 : i32
    %mul3A_4 = arith.muli %mul3A_2, %mul3A_3 : i32
    "tpu.region"() ({
      %run_scoped3A = tpu.sem_alloc : memref<!tpu.dma_semaphore, #tpu.memory_space<semaphore_mem>>
      %dma_start3A_727 = tpu.memref_slice %arg3[%mul3A_4] : memref<24576xi32, #tpu.memory_space<hbm>> -> memref<768xi32, #tpu.memory_space<hbm>>
      %dma_start3A_728 = tpu.memref_slice %arg3[%mul3A_4] : memref<24576xi32, #tpu.memory_space<hbm>> -> memref<768xi32, #tpu.memory_space<hbm>>
      tpu.enqueue_dma source(%dma_start3A_728 : memref<768xi32, #tpu.memory_space<hbm>>) target(%arg6 : memref<768xi32, #tpu.memory_space<vmem>>) target_semaphore(%run_scoped3A : memref<!tpu.dma_semaphore, #tpu.memory_space<semaphore_mem>>)
      %dma_wait3A_729 = tpu.memref_slice %arg3[%mul3A_4] : memref<24576xi32, #tpu.memory_space<hbm>> -> memref<768xi32, #tpu.memory_space<hbm>>
      %dma_wait3A_730 = tpu.memref_slice %arg3[%mul3A_4] : memref<24576xi32, #tpu.memory_space<hbm>> -> memref<768xi32, #tpu.memory_space<hbm>>
      tpu.wait_dma2 semaphore(%run_scoped3A : memref<!tpu.dma_semaphore, #tpu.memory_space<semaphore_mem>>) src(%dma_wait3A_730 : memref<768xi32, #tpu.memory_space<hbm>>) dst(%arg6 : memref<768xi32, #tpu.memory_space<vmem>>)
      tpu.yield
    }) : () -> ()
    %add3A_5 = arith.constant 0 : i32
    %add3A_6 = arith.addi %mul3A_2, %add3A_5 : i32
    %dma_start3A = arith.constant 0 : i32
    %dma_start3A_7 = tpu.memref_slice %arg7[%dma_start3A] : memref<768xf32, #tpu.memory_space<vmem>> -> memref<20xf32, #tpu.memory_space<vmem>>
    %dma_start3A_8 = arith.constant 0 : i32
    %dma_start3A_9 = tpu.memref_slice %arg6[%dma_start3A_8] : memref<768xi32, #tpu.memory_space<vmem>> -> memref<20xi32, #tpu.memory_space<vmem>>
    %dma_start3A_10 = arith.constant 0 : i32
    %dma_start3A_11 = tpu.memref_slice %arg2[%add3A_6, %dma_start3A_10] : memref<1024x100000xf32, #tpu.memory_space<hbm>> -> memref<1x100000xf32, #tpu.memory_space<hbm>>
    %dma_start3A_12 = tpu.memref_squeeze %dma_start3A_11 : memref<1x100000xf32, #tpu.memory_space<hbm>> -> memref<100000xf32, #tpu.memory_space<hbm>>
    %dma_start3A_13 = arith.constant 0 : i32
    %dma_start3A_14 = tpu.memref_slice %dma_start3A_12[%dma_start3A_13] : memref<100000xf32, #tpu.memory_space<hbm>> -> memref<100000xf32, #tpu.memory_space<hbm>>
    tpu.enqueue_indirect_dma source(%dma_start3A_14 : memref<100000xf32, #tpu.memory_space<hbm>>) target(%dma_start3A_7 : memref<20xf32, #tpu.memory_space<vmem>>) offsets(%dma_start3A_9 : memref<20xi32, #tpu.memory_space<vmem>>) semaphore(%arg9 : memref<!tpu.dma_semaphore, #tpu.memory_space<semaphore_mem>>)
    %add3A_15 = arith.constant 1 : i32
    %add3A_16 = arith.addi %mul3A_2, %add3A_15 : i32
    %dma_start3A_17 = arith.constant 24 : i32
    %dma_start3A_18 = tpu.memref_slice %arg7[%dma_start3A_17] : memref<768xf32, #tpu.memory_space<vmem>> -> memref<20xf32, #tpu.memory_space<vmem>>
    %dma_start3A_19 = arith.constant 24 : i32
    %dma_start3A_20 = tpu.memref_slice %arg6[%dma_start3A_19] : memref<768xi32, #tpu.memory_space<vmem>> -> memref<20xi32, #tpu.memory_space<vmem>>
    %dma_start3A_21 = arith.constant 0 : i32
    %dma_start3A_22 = tpu.memref_slice %arg2[%add3A_16, %dma_start3A_21] : memref<1024x100000xf32, #tpu.memory_space<hbm>> -> memref<1x100000xf32, #tpu.memory_space<hbm>>
    %dma_start3A_23 = tpu.memref_squeeze %dma_start3A_22 : memref<1x100000xf32, #tpu.memory_space<hbm>> -> memref<100000xf32, #tpu.memory_space<hbm>>
    %dma_start3A_24 = arith.constant 0 : i32
    %dma_start3A_25 = tpu.memref_slice %dma_start3A_23[%dma_start3A_24] : memref<100000xf32, #tpu.memory_space<hbm>> -> memref<100000xf32, #tpu.memory_space<hbm>>
    tpu.enqueue_indirect_dma source(%dma_start3A_25 : memref<100000xf32, #tpu.memory_space<hbm>>) target(%dma_start3A_18 : memref<20xf32, #tpu.memory_space<vmem>>) offsets(%dma_start3A_20 : memref<20xi32, #tpu.memory_space<vmem>>) semaphore(%arg9 : memref<!tpu.dma_semaphore, #tpu.memory_space<semaphore_mem>>)
    %add3A_26 = arith.constant 2 : i32
    %add3A_27 = arith.addi %mul3A_2, %add3A_26 : i32
    %dma_start3A_28 = arith.constant 48 : i32
    %dma_start3A_29 = tpu.memref_slice %arg7[%dma_start3A_28] : memref<768xf32, #tpu.memory_space<vmem>> -> memref<20xf32, #tpu.memory_space<vmem>>
    %dma_start3A_30 = arith.constant 48 : i32
    %dma_start3A_31 = tpu.memref_slice %arg6[%dma_start3A_30] : memref<768xi32, #tpu.memory_space<vmem>> -> memref<20xi32, #tpu.memory_space<vmem>>
    %dma_start3A_32 = arith.constant 0 : i32
    %dma_start3A_33 = tpu.memref_slice %arg2[%add3A_27, %dma_start3A_32] : memref<1024x100000xf32, #tpu.memory_space<hbm>> -> memref<1x100000xf32, #tpu.memory_space<hbm>>
    %dma_start3A_34 = tpu.memref_squeeze %dma_start3A_33 : memref<1x100000xf32, #tpu.memory_space<hbm>> -> memref<100000xf32, #tpu.memory_space<hbm>>
    %dma_start3A_35 = arith.constant 0 : i32
    %dma_start3A_36 = tpu.memref_slice %dma_start3A_34[%dma_start3A_35] : memref<100000xf32, #tpu.memory_space<hbm>> -> memref<100000xf32, #tpu.memory_space<hbm>>
    tpu.enqueue_indirect_dma source(%dma_start3A_36 : memref<100000xf32, #tpu.memory_space<hbm>>) target(%dma_start3A_29 : memref<20xf32, #tpu.memory_space<vmem>>) offsets(%dma_start3A_31 : memref<20xi32, #tpu.memory_space<vmem>>) semaphore(%arg9 : memref<!tpu.dma_semaphore, #tpu.memory_space<semaphore_mem>>)
    %add3A_37 = arith.constant 3 : i32
    %add3A_38 = arith.addi %mul3A_2, %add3A_37 : i32
    %dma_start3A_39 = arith.constant 72 : i32
    %dma_start3A_40 = tpu.memref_slice %arg7[%dma_start3A_39] : memref<768xf32, #tpu.memory_space<vmem>> -> memref<20xf32, #tpu.memory_space<vmem>>
    %dma_start3A_41 = arith.constant 72 : i32
    %dma_start3A_42 = tpu.memref_slice %arg6[%dma_start3A_41] : memref<768xi32, #tpu.memory_space<vmem>> -> memref<20xi32, #tpu.memory_space<vmem>>
    %dma_start3A_43 = arith.constant 0 : i32
    %dma_start3A_44 = tpu.memref_slice %arg2[%add3A_38, %dma_start3A_43] : memref<1024x100000xf32, #tpu.memory_space<hbm>> -> memref<1x100000xf32, #tpu.memory_space<hbm>>
    %dma_start3A_45 = tpu.memref_squeeze %dma_start3A_44 : memref<1x100000xf32, #tpu.memory_space<hbm>> -> memref<100000xf32, #tpu.memory_space<hbm>>
    %dma_start3A_46 = arith.constant 0 : i32
    %dma_start3A_47 = tpu.memref_slice %dma_start3A_45[%dma_start3A_46] : memref<100000xf32, #tpu.memory_space<hbm>> -> memref<100000xf32, #tpu.memory_space<hbm>>
    tpu.enqueue_indirect_dma source(%dma_start3A_47 : memref<100000xf32, #tpu.memory_space<hbm>>) target(%dma_start3A_40 : memref<20xf32, #tpu.memory_space<vmem>>) offsets(%dma_start3A_42 : memref<20xi32, #tpu.memory_space<vmem>>) semaphore(%arg9 : memref<!tpu.dma_semaphore, #tpu.memory_space<semaphore_mem>>)
    %add3A_48 = arith.constant 4 : i32
    %add3A_49 = arith.addi %mul3A_2, %add3A_48 : i32
    %dma_start3A_50 = arith.constant 96 : i32
    %dma_start3A_51 = tpu.memref_slice %arg7[%dma_start3A_50] : memref<768xf32, #tpu.memory_space<vmem>> -> memref<20xf32, #tpu.memory_space<vmem>>
    %dma_start3A_52 = arith.constant 96 : i32
    %dma_start3A_53 = tpu.memref_slice %arg6[%dma_start3A_52] : memref<768xi32, #tpu.memory_space<vmem>> -> memref<20xi32, #tpu.memory_space<vmem>>
    %dma_start3A_54 = arith.constant 0 : i32
    %dma_start3A_55 = tpu.memref_slice %arg2[%add3A_49, %dma_start3A_54] : memref<1024x100000xf32, #tpu.memory_space<hbm>> -> memref<1x100000xf32, #tpu.memory_space<hbm>>
    %dma_start3A_56 = tpu.memref_squeeze %dma_start3A_55 : memref<1x100000xf32, #tpu.memory_space<hbm>> -> memref<100000xf32, #tpu.memory_space<hbm>>
    %dma_start3A_57 = arith.constant 0 : i32
    %dma_start3A_58 = tpu.memref_slice %dma_start3A_56[%dma_start3A_57] : memref<100000xf32, #tpu.memory_space<hbm>> -> memref<100000xf32, #tpu.memory_space<hbm>>
    tpu.enqueue_indirect_dma source(%dma_start3A_58 : memref<100000xf32, #tpu.memory_space<hbm>>) target(%dma_start3A_51 : memref<20xf32, #tpu.memory_space<vmem>>) offsets(%dma_start3A_53 : memref<20xi32, #tpu.memory_space<vmem>>) semaphore(%arg9 : memref<!tpu.dma_semaphore, #tpu.memory_space<semaphore_mem>>)
    %add3A_59 = arith.constant 5 : i32
    %add3A_60 = arith.addi %mul3A_2, %add3A_59 : i32
    %dma_start3A_61 = arith.constant 120 : i32
    %dma_start3A_62 = tpu.memref_slice %arg7[%dma_start3A_61] : memref<768xf32, #tpu.memory_space<vmem>> -> memref<20xf32, #tpu.memory_space<vmem>>
    %dma_start3A_63 = arith.constant 120 : i32
    %dma_start3A_64 = tpu.memref_slice %arg6[%dma_start3A_63] : memref<768xi32, #tpu.memory_space<vmem>> -> memref<20xi32, #tpu.memory_space<vmem>>
    %dma_start3A_65 = arith.constant 0 : i32
    %dma_start3A_66 = tpu.memref_slice %arg2[%add3A_60, %dma_start3A_65] : memref<1024x100000xf32, #tpu.memory_space<hbm>> -> memref<1x100000xf32, #tpu.memory_space<hbm>>
    %dma_start3A_67 = tpu.memref_squeeze %dma_start3A_66 : memref<1x100000xf32, #tpu.memory_space<hbm>> -> memref<100000xf32, #tpu.memory_space<hbm>>
    %dma_start3A_68 = arith.constant 0 : i32
    %dma_start3A_69 = tpu.memref_slice %dma_start3A_67[%dma_start3A_68] : memref<100000xf32, #tpu.memory_space<hbm>> -> memref<100000xf32, #tpu.memory_space<hbm>>
    tpu.enqueue_indirect_dma source(%dma_start3A_69 : memref<100000xf32, #tpu.memory_space<hbm>>) target(%dma_start3A_62 : memref<20xf32, #tpu.memory_space<vmem>>) offsets(%dma_start3A_64 : memref<20xi32, #tpu.memory_space<vmem>>) semaphore(%arg9 : memref<!tpu.dma_semaphore, #tpu.memory_space<semaphore_mem>>)
    %add3A_70 = arith.constant 6 : i32
    %add3A_71 = arith.addi %mul3A_2, %add3A_70 : i32
    %dma_start3A_72 = arith.constant 144 : i32
    %dma_start3A_73 = tpu.memref_slice %arg7[%dma_start3A_72] : memref<768xf32, #tpu.memory_space<vmem>> -> memref<20xf32, #tpu.memory_space<vmem>>
    %dma_start3A_74 = arith.constant 144 : i32
    %dma_start3A_75 = tpu.memref_slice %arg6[%dma_start3A_74] : memref<768xi32, #tpu.memory_space<vmem>> -> memref<20xi32, #tpu.memory_space<vmem>>
    %dma_start3A_76 = arith.constant 0 : i32
    %dma_start3A_77 = tpu.memref_slice %arg2[%add3A_71, %dma_start3A_76] : memref<1024x100000xf32, #tpu.memory_space<hbm>> -> memref<1x100000xf32, #tpu.memory_space<hbm>>
    %dma_start3A_78 = tpu.memref_squeeze %dma_start3A_77 : memref<1x100000xf32, #tpu.memory_space<hbm>> -> memref<100000xf32, #tpu.memory_space<hbm>>
    %dma_start3A_79 = arith.constant 0 : i32
    %dma_start3A_80 = tpu.memref_slice %dma_start3A_78[%dma_start3A_79] : memref<100000xf32, #tpu.memory_space<hbm>> -> memref<100000xf32, #tpu.memory_space<hbm>>
    tpu.enqueue_indirect_dma source(%dma_start3A_80 : memref<100000xf32, #tpu.memory_space<hbm>>) target(%dma_start3A_73 : memref<20xf32, #tpu.memory_space<vmem>>) offsets(%dma_start3A_75 : memref<20xi32, #tpu.memory_space<vmem>>) semaphore(%arg9 : memref<!tpu.dma_semaphore, #tpu.memory_space<semaphore_mem>>)
    %add3A_81 = arith.constant 7 : i32
    %add3A_82 = arith.addi %mul3A_2, %add3A_81 : i32
    %dma_start3A_83 = arith.constant 168 : i32
    %dma_start3A_84 = tpu.memref_slice %arg7[%dma_start3A_83] : memref<768xf32, #tpu.memory_space<vmem>> -> memref<20xf32, #tpu.memory_space<vmem>>
    %dma_start3A_85 = arith.constant 168 : i32
    %dma_start3A_86 = tpu.memref_slice %arg6[%dma_start3A_85] : memref<768xi32, #tpu.memory_space<vmem>> -> memref<20xi32, #tpu.memory_space<vmem>>
    %dma_start3A_87 = arith.constant 0 : i32
    %dma_start3A_88 = tpu.memref_slice %arg2[%add3A_82, %dma_start3A_87] : memref<1024x100000xf32, #tpu.memory_space<hbm>> -> memref<1x100000xf32, #tpu.memory_space<hbm>>
    %dma_start3A_89 = tpu.memref_squeeze %dma_start3A_88 : memref<1x100000xf32, #tpu.memory_space<hbm>> -> memref<100000xf32, #tpu.memory_space<hbm>>
    %dma_start3A_90 = arith.constant 0 : i32
    %dma_start3A_91 = tpu.memref_slice %dma_start3A_89[%dma_start3A_90] : memref<100000xf32, #tpu.memory_space<hbm>> -> memref<100000xf32, #tpu.memory_space<hbm>>
    tpu.enqueue_indirect_dma source(%dma_start3A_91 : memref<100000xf32, #tpu.memory_space<hbm>>) target(%dma_start3A_84 : memref<20xf32, #tpu.memory_space<vmem>>) offsets(%dma_start3A_86 : memref<20xi32, #tpu.memory_space<vmem>>) semaphore(%arg9 : memref<!tpu.dma_semaphore, #tpu.memory_space<semaphore_mem>>)
    %add3A_92 = arith.constant 8 : i32
    %add3A_93 = arith.addi %mul3A_2, %add3A_92 : i32
    %dma_start3A_94 = arith.constant 192 : i32
    %dma_start3A_95 = tpu.memref_slice %arg7[%dma_start3A_94] : memref<768xf32, #tpu.memory_space<vmem>> -> memref<20xf32, #tpu.memory_space<vmem>>
    %dma_start3A_96 = arith.constant 192 : i32
    %dma_start3A_97 = tpu.memref_slice %arg6[%dma_start3A_96] : memref<768xi32, #tpu.memory_space<vmem>> -> memref<20xi32, #tpu.memory_space<vmem>>
    %dma_start3A_98 = arith.constant 0 : i32
    %dma_start3A_99 = tpu.memref_slice %arg2[%add3A_93, %dma_start3A_98] : memref<1024x100000xf32, #tpu.memory_space<hbm>> -> memref<1x100000xf32, #tpu.memory_space<hbm>>
    %dma_start3A_100 = tpu.memref_squeeze %dma_start3A_99 : memref<1x100000xf32, #tpu.memory_space<hbm>> -> memref<100000xf32, #tpu.memory_space<hbm>>
    %dma_start3A_101 = arith.constant 0 : i32
    %dma_start3A_102 = tpu.memref_slice %dma_start3A_100[%dma_start3A_101] : memref<100000xf32, #tpu.memory_space<hbm>> -> memref<100000xf32, #tpu.memory_space<hbm>>
    tpu.enqueue_indirect_dma source(%dma_start3A_102 : memref<100000xf32, #tpu.memory_space<hbm>>) target(%dma_start3A_95 : memref<20xf32, #tpu.memory_space<vmem>>) offsets(%dma_start3A_97 : memref<20xi32, #tpu.memory_space<vmem>>) semaphore(%arg9 : memref<!tpu.dma_semaphore, #tpu.memory_space<semaphore_mem>>)
    %add3A_103 = arith.constant 9 : i32
    %add3A_104 = arith.addi %mul3A_2, %add3A_103 : i32
    %dma_start3A_105 = arith.constant 216 : i32
    %dma_start3A_106 = tpu.memref_slice %arg7[%dma_start3A_105] : memref<768xf32, #tpu.memory_space<vmem>> -> memref<20xf32, #tpu.memory_space<vmem>>
    %dma_start3A_107 = arith.constant 216 : i32
    %dma_start3A_108 = tpu.memref_slice %arg6[%dma_start3A_107] : memref<768xi32, #tpu.memory_space<vmem>> -> memref<20xi32, #tpu.memory_space<vmem>>
    %dma_start3A_109 = arith.constant 0 : i32
    %dma_start3A_110 = tpu.memref_slice %arg2[%add3A_104, %dma_start3A_109] : memref<1024x100000xf32, #tpu.memory_space<hbm>> -> memref<1x100000xf32, #tpu.memory_space<hbm>>
    %dma_start3A_111 = tpu.memref_squeeze %dma_start3A_110 : memref<1x100000xf32, #tpu.memory_space<hbm>> -> memref<100000xf32, #tpu.memory_space<hbm>>
    %dma_start3A_112 = arith.constant 0 : i32
    %dma_start3A_113 = tpu.memref_slice %dma_start3A_111[%dma_start3A_112] : memref<100000xf32, #tpu.memory_space<hbm>> -> memref<100000xf32, #tpu.memory_space<hbm>>
    tpu.enqueue_indirect_dma source(%dma_start3A_113 : memref<100000xf32, #tpu.memory_space<hbm>>) target(%dma_start3A_106 : memref<20xf32, #tpu.memory_space<vmem>>) offsets(%dma_start3A_108 : memref<20xi32, #tpu.memory_space<vmem>>) semaphore(%arg9 : memref<!tpu.dma_semaphore, #tpu.memory_space<semaphore_mem>>)
    %add3A_114 = arith.constant 10 : i32
    %add3A_115 = arith.addi %mul3A_2, %add3A_114 : i32
    %dma_start3A_116 = arith.constant 240 : i32
    %dma_start3A_117 = tpu.memref_slice %arg7[%dma_start3A_116] : memref<768xf32, #tpu.memory_space<vmem>> -> memref<20xf32, #tpu.memory_space<vmem>>
    %dma_start3A_118 = arith.constant 240 : i32
    %dma_start3A_119 = tpu.memref_slice %arg6[%dma_start3A_118] : memref<768xi32, #tpu.memory_space<vmem>> -> memref<20xi32, #tpu.memory_space<vmem>>
    %dma_start3A_120 = arith.constant 0 : i32
    %dma_start3A_121 = tpu.memref_slice %arg2[%add3A_115, %dma_start3A_120] : memref<1024x100000xf32, #tpu.memory_space<hbm>> -> memref<1x100000xf32, #tpu.memory_space<hbm>>
    %dma_start3A_122 = tpu.memref_squeeze %dma_start3A_121 : memref<1x100000xf32, #tpu.memory_space<hbm>> -> memref<100000xf32, #tpu.memory_space<hbm>>
    %dma_start3A_123 = arith.constant 0 : i32
    %dma_start3A_124 = tpu.memref_slice %dma_start3A_122[%dma_start3A_123] : memref<100000xf32, #tpu.memory_space<hbm>> -> memref<100000xf32, #tpu.memory_space<hbm>>
    tpu.enqueue_indirect_dma source(%dma_start3A_124 : memref<100000xf32, #tpu.memory_space<hbm>>) target(%dma_start3A_117 : memref<20xf32, #tpu.memory_space<vmem>>) offsets(%dma_start3A_119 : memref<20xi32, #tpu.memory_space<vmem>>) semaphore(%arg9 : memref<!tpu.dma_semaphore, #tpu.memory_space<semaphore_mem>>)
    %add3A_125 = arith.constant 11 : i32
    %add3A_126 = arith.addi %mul3A_2, %add3A_125 : i32
    %dma_start3A_127 = arith.constant 264 : i32
    %dma_start3A_128 = tpu.memref_slice %arg7[%dma_start3A_127] : memref<768xf32, #tpu.memory_space<vmem>> -> memref<20xf32, #tpu.memory_space<vmem>>
    %dma_start3A_129 = arith.constant 264 : i32
    %dma_start3A_130 = tpu.memref_slice %arg6[%dma_start3A_129] : memref<768xi32, #tpu.memory_space<vmem>> -> memref<20xi32, #tpu.memory_space<vmem>>
    %dma_start3A_131 = arith.constant 0 : i32
    %dma_start3A_132 = tpu.memref_slice %arg2[%add3A_126, %dma_start3A_131] : memref<1024x100000xf32, #tpu.memory_space<hbm>> -> memref<1x100000xf32, #tpu.memory_space<hbm>>
    %dma_start3A_133 = tpu.memref_squeeze %dma_start3A_132 : memref<1x100000xf32, #tpu.memory_space<hbm>> -> memref<100000xf32, #tpu.memory_space<hbm>>
    %dma_start3A_134 = arith.constant 0 : i32
    %dma_start3A_135 = tpu.memref_slice %dma_start3A_133[%dma_start3A_134] : memref<100000xf32, #tpu.memory_space<hbm>> -> memref<100000xf32, #tpu.memory_space<hbm>>
    tpu.enqueue_indirect_dma source(%dma_start3A_135 : memref<100000xf32, #tpu.memory_space<hbm>>) target(%dma_start3A_128 : memref<20xf32, #tpu.memory_space<vmem>>) offsets(%dma_start3A_130 : memref<20xi32, #tpu.memory_space<vmem>>) semaphore(%arg9 : memref<!tpu.dma_semaphore, #tpu.memory_space<semaphore_mem>>)
    %add3A_136 = arith.constant 12 : i32
    %add3A_137 = arith.addi %mul3A_2, %add3A_136 : i32
    %dma_start3A_138 = arith.constant 288 : i32
    %dma_start3A_139 = tpu.memref_slice %arg7[%dma_start3A_138] : memref<768xf32, #tpu.memory_space<vmem>> -> memref<20xf32, #tpu.memory_space<vmem>>
    %dma_start3A_140 = arith.constant 288 : i32
    %dma_start3A_141 = tpu.memref_slice %arg6[%dma_start3A_140] : memref<768xi32, #tpu.memory_space<vmem>> -> memref<20xi32, #tpu.memory_space<vmem>>
    %dma_start3A_142 = arith.constant 0 : i32
    %dma_start3A_143 = tpu.memref_slice %arg2[%add3A_137, %dma_start3A_142] : memref<1024x100000xf32, #tpu.memory_space<hbm>> -> memref<1x100000xf32, #tpu.memory_space<hbm>>
    %dma_start3A_144 = tpu.memref_squeeze %dma_start3A_143 : memref<1x100000xf32, #tpu.memory_space<hbm>> -> memref<100000xf32, #tpu.memory_space<hbm>>
    %dma_start3A_145 = arith.constant 0 : i32
    %dma_start3A_146 = tpu.memref_slice %dma_start3A_144[%dma_start3A_145] : memref<100000xf32, #tpu.memory_space<hbm>> -> memref<100000xf32, #tpu.memory_space<hbm>>
    tpu.enqueue_indirect_dma source(%dma_start3A_146 : memref<100000xf32, #tpu.memory_space<hbm>>) target(%dma_start3A_139 : memref<20xf32, #tpu.memory_space<vmem>>) offsets(%dma_start3A_141 : memref<20xi32, #tpu.memory_space<vmem>>) semaphore(%arg9 : memref<!tpu.dma_semaphore, #tpu.memory_space<semaphore_mem>>)
    %add3A_147 = arith.constant 13 : i32
    %add3A_148 = arith.addi %mul3A_2, %add3A_147 : i32
    %dma_start3A_149 = arith.constant 312 : i32
    %dma_start3A_150 = tpu.memref_slice %arg7[%dma_start3A_149] : memref<768xf32, #tpu.memory_space<vmem>> -> memref<20xf32, #tpu.memory_space<vmem>>
    %dma_start3A_151 = arith.constant 312 : i32
    %dma_start3A_152 = tpu.memref_slice %arg6[%dma_start3A_151] : memref<768xi32, #tpu.memory_space<vmem>> -> memref<20xi32, #tpu.memory_space<vmem>>
    %dma_start3A_153 = arith.constant 0 : i32
    %dma_start3A_154 = tpu.memref_slice %arg2[%add3A_148, %dma_start3A_153] : memref<1024x100000xf32, #tpu.memory_space<hbm>> -> memref<1x100000xf32, #tpu.memory_space<hbm>>
    %dma_start3A_155 = tpu.memref_squeeze %dma_start3A_154 : memref<1x100000xf32, #tpu.memory_space<hbm>> -> memref<100000xf32, #tpu.memory_space<hbm>>
    %dma_start3A_156 = arith.constant 0 : i32
    %dma_start3A_157 = tpu.memref_slice %dma_start3A_155[%dma_start3A_156] : memref<100000xf32, #tpu.memory_space<hbm>> -> memref<100000xf32, #tpu.memory_space<hbm>>
    tpu.enqueue_indirect_dma source(%dma_start3A_157 : memref<100000xf32, #tpu.memory_space<hbm>>) target(%dma_start3A_150 : memref<20xf32, #tpu.memory_space<vmem>>) offsets(%dma_start3A_152 : memref<20xi32, #tpu.memory_space<vmem>>) semaphore(%arg9 : memref<!tpu.dma_semaphore, #tpu.memory_space<semaphore_mem>>)
    %add3A_158 = arith.constant 14 : i32
    %add3A_159 = arith.addi %mul3A_2, %add3A_158 : i32
    %dma_start3A_160 = arith.constant 336 : i32
    %dma_start3A_161 = tpu.memref_slice %arg7[%dma_start3A_160] : memref<768xf32, #tpu.memory_space<vmem>> -> memref<20xf32, #tpu.memory_space<vmem>>
    %dma_start3A_162 = arith.constant 336 : i32
    %dma_start3A_163 = tpu.memref_slice %arg6[%dma_start3A_162] : memref<768xi32, #tpu.memory_space<vmem>> -> memref<20xi32, #tpu.memory_space<vmem>>
    %dma_start3A_164 = arith.constant 0 : i32
    %dma_start3A_165 = tpu.memref_slice %arg2[%add3A_159, %dma_start3A_164] : memref<1024x100000xf32, #tpu.memory_space<hbm>> -> memref<1x100000xf32, #tpu.memory_space<hbm>>
    %dma_start3A_166 = tpu.memref_squeeze %dma_start3A_165 : memref<1x100000xf32, #tpu.memory_space<hbm>> -> memref<100000xf32, #tpu.memory_space<hbm>>
    %dma_start3A_167 = arith.constant 0 : i32
    %dma_start3A_168 = tpu.memref_slice %dma_start3A_166[%dma_start3A_167] : memref<100000xf32, #tpu.memory_space<hbm>> -> memref<100000xf32, #tpu.memory_space<hbm>>
    tpu.enqueue_indirect_dma source(%dma_start3A_168 : memref<100000xf32, #tpu.memory_space<hbm>>) target(%dma_start3A_161 : memref<20xf32, #tpu.memory_space<vmem>>) offsets(%dma_start3A_163 : memref<20xi32, #tpu.memory_space<vmem>>) semaphore(%arg9 : memref<!tpu.dma_semaphore, #tpu.memory_space<semaphore_mem>>)
    %add3A_169 = arith.constant 15 : i32
    %add3A_170 = arith.addi %mul3A_2, %add3A_169 : i32
    %dma_start3A_171 = arith.constant 360 : i32
    %dma_start3A_172 = tpu.memref_slice %arg7[%dma_start3A_171] : memref<768xf32, #tpu.memory_space<vmem>> -> memref<20xf32, #tpu.memory_space<vmem>>
    %dma_start3A_173 = arith.constant 360 : i32
    %dma_start3A_174 = tpu.memref_slice %arg6[%dma_start3A_173] : memref<768xi32, #tpu.memory_space<vmem>> -> memref<20xi32, #tpu.memory_space<vmem>>
    %dma_start3A_175 = arith.constant 0 : i32
    %dma_start3A_176 = tpu.memref_slice %arg2[%add3A_170, %dma_start3A_175] : memref<1024x100000xf32, #tpu.memory_space<hbm>> -> memref<1x100000xf32, #tpu.memory_space<hbm>>
    %dma_start3A_177 = tpu.memref_squeeze %dma_start3A_176 : memref<1x100000xf32, #tpu.memory_space<hbm>> -> memref<100000xf32, #tpu.memory_space<hbm>>
    %dma_start3A_178 = arith.constant 0 : i32
    %dma_start3A_179 = tpu.memref_slice %dma_start3A_177[%dma_start3A_178] : memref<100000xf32, #tpu.memory_space<hbm>> -> memref<100000xf32, #tpu.memory_space<hbm>>
    tpu.enqueue_indirect_dma source(%dma_start3A_179 : memref<100000xf32, #tpu.memory_space<hbm>>) target(%dma_start3A_172 : memref<20xf32, #tpu.memory_space<vmem>>) offsets(%dma_start3A_174 : memref<20xi32, #tpu.memory_space<vmem>>) semaphore(%arg9 : memref<!tpu.dma_semaphore, #tpu.memory_space<semaphore_mem>>)
    %add3A_180 = arith.constant 16 : i32
    %add3A_181 = arith.addi %mul3A_2, %add3A_180 : i32
    %dma_start3A_182 = arith.constant 384 : i32
    %dma_start3A_183 = tpu.memref_slice %arg7[%dma_start3A_182] : memref<768xf32, #tpu.memory_space<vmem>> -> memref<20xf32, #tpu.memory_space<vmem>>
    %dma_start3A_184 = arith.constant 384 : i32
    %dma_start3A_185 = tpu.memref_slice %arg6[%dma_start3A_184] : memref<768xi32, #tpu.memory_space<vmem>> -> memref<20xi32, #tpu.memory_space<vmem>>
    %dma_start3A_186 = arith.constant 0 : i32
    %dma_start3A_187 = tpu.memref_slice %arg2[%add3A_181, %dma_start3A_186] : memref<1024x100000xf32, #tpu.memory_space<hbm>> -> memref<1x100000xf32, #tpu.memory_space<hbm>>
    %dma_start3A_188 = tpu.memref_squeeze %dma_start3A_187 : memref<1x100000xf32, #tpu.memory_space<hbm>> -> memref<100000xf32, #tpu.memory_space<hbm>>
    %dma_start3A_189 = arith.constant 0 : i32
    %dma_start3A_190 = tpu.memref_slice %dma_start3A_188[%dma_start3A_189] : memref<100000xf32, #tpu.memory_space<hbm>> -> memref<100000xf32, #tpu.memory_space<hbm>>
    tpu.enqueue_indirect_dma source(%dma_start3A_190 : memref<100000xf32, #tpu.memory_space<hbm>>) target(%dma_start3A_183 : memref<20xf32, #tpu.memory_space<vmem>>) offsets(%dma_start3A_185 : memref<20xi32, #tpu.memory_space<vmem>>) semaphore(%arg9 : memref<!tpu.dma_semaphore, #tpu.memory_space<semaphore_mem>>)
    %add3A_191 = arith.constant 17 : i32
    %add3A_192 = arith.addi %mul3A_2, %add3A_191 : i32
    %dma_start3A_193 = arith.constant 408 : i32
    %dma_start3A_194 = tpu.memref_slice %arg7[%dma_start3A_193] : memref<768xf32, #tpu.memory_space<vmem>> -> memref<20xf32, #tpu.memory_space<vmem>>
    %dma_start3A_195 = arith.constant 408 : i32
    %dma_start3A_196 = tpu.memref_slice %arg6[%dma_start3A_195] : memref<768xi32, #tpu.memory_space<vmem>> -> memref<20xi32, #tpu.memory_space<vmem>>
    %dma_start3A_197 = arith.constant 0 : i32
    %dma_start3A_198 = tpu.memref_slice %arg2[%add3A_192, %dma_start3A_197] : memref<1024x100000xf32, #tpu.memory_space<hbm>> -> memref<1x100000xf32, #tpu.memory_space<hbm>>
    %dma_start3A_199 = tpu.memref_squeeze %dma_start3A_198 : memref<1x100000xf32, #tpu.memory_space<hbm>> -> memref<100000xf32, #tpu.memory_space<hbm>>
    %dma_start3A_200 = arith.constant 0 : i32
    %dma_start3A_201 = tpu.memref_slice %dma_start3A_199[%dma_start3A_200] : memref<100000xf32, #tpu.memory_space<hbm>> -> memref<100000xf32, #tpu.memory_space<hbm>>
    tpu.enqueue_indirect_dma source(%dma_start3A_201 : memref<100000xf32, #tpu.memory_space<hbm>>) target(%dma_start3A_194 : memref<20xf32, #tpu.memory_space<vmem>>) offsets(%dma_start3A_196 : memref<20xi32, #tpu.memory_space<vmem>>) semaphore(%arg9 : memref<!tpu.dma_semaphore, #tpu.memory_space<semaphore_mem>>)
    %add3A_202 = arith.constant 18 : i32
    %add3A_203 = arith.addi %mul3A_2, %add3A_202 : i32
    %dma_start3A_204 = arith.constant 432 : i32
    %dma_start3A_205 = tpu.memref_slice %arg7[%dma_start3A_204] : memref<768xf32, #tpu.memory_space<vmem>> -> memref<20xf32, #tpu.memory_space<vmem>>
    %dma_start3A_206 = arith.constant 432 : i32
    %dma_start3A_207 = tpu.memref_slice %arg6[%dma_start3A_206] : memref<768xi32, #tpu.memory_space<vmem>> -> memref<20xi32, #tpu.memory_space<vmem>>
    %dma_start3A_208 = arith.constant 0 : i32
    %dma_start3A_209 = tpu.memref_slice %arg2[%add3A_203, %dma_start3A_208] : memref<1024x100000xf32, #tpu.memory_space<hbm>> -> memref<1x100000xf32, #tpu.memory_space<hbm>>
    %dma_start3A_210 = tpu.memref_squeeze %dma_start3A_209 : memref<1x100000xf32, #tpu.memory_space<hbm>> -> memref<100000xf32, #tpu.memory_space<hbm>>
    %dma_start3A_211 = arith.constant 0 : i32
    %dma_start3A_212 = tpu.memref_slice %dma_start3A_210[%dma_start3A_211] : memref<100000xf32, #tpu.memory_space<hbm>> -> memref<100000xf32, #tpu.memory_space<hbm>>
    tpu.enqueue_indirect_dma source(%dma_start3A_212 : memref<100000xf32, #tpu.memory_space<hbm>>) target(%dma_start3A_205 : memref<20xf32, #tpu.memory_space<vmem>>) offsets(%dma_start3A_207 : memref<20xi32, #tpu.memory_space<vmem>>) semaphore(%arg9 : memref<!tpu.dma_semaphore, #tpu.memory_space<semaphore_mem>>)
    %add3A_213 = arith.constant 19 : i32
    %add3A_214 = arith.addi %mul3A_2, %add3A_213 : i32
    %dma_start3A_215 = arith.constant 456 : i32
    %dma_start3A_216 = tpu.memref_slice %arg7[%dma_start3A_215] : memref<768xf32, #tpu.memory_space<vmem>> -> memref<20xf32, #tpu.memory_space<vmem>>
    %dma_start3A_217 = arith.constant 456 : i32
    %dma_start3A_218 = tpu.memref_slice %arg6[%dma_start3A_217] : memref<768xi32, #tpu.memory_space<vmem>> -> memref<20xi32, #tpu.memory_space<vmem>>
    %dma_start3A_219 = arith.constant 0 : i32
    %dma_start3A_220 = tpu.memref_slice %arg2[%add3A_214, %dma_start3A_219] : memref<1024x100000xf32, #tpu.memory_space<hbm>> -> memref<1x100000xf32, #tpu.memory_space<hbm>>
    %dma_start3A_221 = tpu.memref_squeeze %dma_start3A_220 : memref<1x100000xf32, #tpu.memory_space<hbm>> -> memref<100000xf32, #tpu.memory_space<hbm>>
    %dma_start3A_222 = arith.constant 0 : i32
    %dma_start3A_223 = tpu.memref_slice %dma_start3A_221[%dma_start3A_222] : memref<100000xf32, #tpu.memory_space<hbm>> -> memref<100000xf32, #tpu.memory_space<hbm>>
    tpu.enqueue_indirect_dma source(%dma_start3A_223 : memref<100000xf32, #tpu.memory_space<hbm>>) target(%dma_start3A_216 : memref<20xf32, #tpu.memory_space<vmem>>) offsets(%dma_start3A_218 : memref<20xi32, #tpu.memory_space<vmem>>) semaphore(%arg9 : memref<!tpu.dma_semaphore, #tpu.memory_space<semaphore_mem>>)
    %add3A_224 = arith.constant 20 : i32
    %add3A_225 = arith.addi %mul3A_2, %add3A_224 : i32
    %dma_start3A_226 = arith.constant 480 : i32
    %dma_start3A_227 = tpu.memref_slice %arg7[%dma_start3A_226] : memref<768xf32, #tpu.memory_space<vmem>> -> memref<20xf32, #tpu.memory_space<vmem>>
    %dma_start3A_228 = arith.constant 480 : i32
    %dma_start3A_229 = tpu.memref_slice %arg6[%dma_start3A_228] : memref<768xi32, #tpu.memory_space<vmem>> -> memref<20xi32, #tpu.memory_space<vmem>>
    %dma_start3A_230 = arith.constant 0 : i32
    %dma_start3A_231 = tpu.memref_slice %arg2[%add3A_225, %dma_start3A_230] : memref<1024x100000xf32, #tpu.memory_space<hbm>> -> memref<1x100000xf32, #tpu.memory_space<hbm>>
    %dma_start3A_232 = tpu.memref_squeeze %dma_start3A_231 : memref<1x100000xf32, #tpu.memory_space<hbm>> -> memref<100000xf32, #tpu.memory_space<hbm>>
    %dma_start3A_233 = arith.constant 0 : i32
    %dma_start3A_234 = tpu.memref_slice %dma_start3A_232[%dma_start3A_233] : memref<100000xf32, #tpu.memory_space<hbm>> -> memref<100000xf32, #tpu.memory_space<hbm>>
    tpu.enqueue_indirect_dma source(%dma_start3A_234 : memref<100000xf32, #tpu.memory_space<hbm>>) target(%dma_start3A_227 : memref<20xf32, #tpu.memory_space<vmem>>) offsets(%dma_start3A_229 : memref<20xi32, #tpu.memory_space<vmem>>) semaphore(%arg9 : memref<!tpu.dma_semaphore, #tpu.memory_space<semaphore_mem>>)
    %add3A_235 = arith.constant 21 : i32
    %add3A_236 = arith.addi %mul3A_2, %add3A_235 : i32
    %dma_start3A_237 = arith.constant 504 : i32
    %dma_start3A_238 = tpu.memref_slice %arg7[%dma_start3A_237] : memref<768xf32, #tpu.memory_space<vmem>> -> memref<20xf32, #tpu.memory_space<vmem>>
    %dma_start3A_239 = arith.constant 504 : i32
    %dma_start3A_240 = tpu.memref_slice %arg6[%dma_start3A_239] : memref<768xi32, #tpu.memory_space<vmem>> -> memref<20xi32, #tpu.memory_space<vmem>>
    %dma_start3A_241 = arith.constant 0 : i32
    %dma_start3A_242 = tpu.memref_slice %arg2[%add3A_236, %dma_start3A_241] : memref<1024x100000xf32, #tpu.memory_space<hbm>> -> memref<1x100000xf32, #tpu.memory_space<hbm>>
    %dma_start3A_243 = tpu.memref_squeeze %dma_start3A_242 : memref<1x100000xf32, #tpu.memory_space<hbm>> -> memref<100000xf32, #tpu.memory_space<hbm>>
    %dma_start3A_244 = arith.constant 0 : i32
    %dma_start3A_245 = tpu.memref_slice %dma_start3A_243[%dma_start3A_244] : memref<100000xf32, #tpu.memory_space<hbm>> -> memref<100000xf32, #tpu.memory_space<hbm>>
    tpu.enqueue_indirect_dma source(%dma_start3A_245 : memref<100000xf32, #tpu.memory_space<hbm>>) target(%dma_start3A_238 : memref<20xf32, #tpu.memory_space<vmem>>) offsets(%dma_start3A_240 : memref<20xi32, #tpu.memory_space<vmem>>) semaphore(%arg9 : memref<!tpu.dma_semaphore, #tpu.memory_space<semaphore_mem>>)
    %add3A_246 = arith.constant 22 : i32
    %add3A_247 = arith.addi %mul3A_2, %add3A_246 : i32
    %dma_start3A_248 = arith.constant 528 : i32
    %dma_start3A_249 = tpu.memref_slice %arg7[%dma_start3A_248] : memref<768xf32, #tpu.memory_space<vmem>> -> memref<20xf32, #tpu.memory_space<vmem>>
    %dma_start3A_250 = arith.constant 528 : i32
    %dma_start3A_251 = tpu.memref_slice %arg6[%dma_start3A_250] : memref<768xi32, #tpu.memory_space<vmem>> -> memref<20xi32, #tpu.memory_space<vmem>>
    %dma_start3A_252 = arith.constant 0 : i32
    %dma_start3A_253 = tpu.memref_slice %arg2[%add3A_247, %dma_start3A_252] : memref<1024x100000xf32, #tpu.memory_space<hbm>> -> memref<1x100000xf32, #tpu.memory_space<hbm>>
    %dma_start3A_254 = tpu.memref_squeeze %dma_start3A_253 : memref<1x100000xf32, #tpu.memory_space<hbm>> -> memref<100000xf32, #tpu.memory_space<hbm>>
    %dma_start3A_255 = arith.constant 0 : i32
    %dma_start3A_256 = tpu.memref_slice %dma_start3A_254[%dma_start3A_255] : memref<100000xf32, #tpu.memory_space<hbm>> -> memref<100000xf32, #tpu.memory_space<hbm>>
    tpu.enqueue_indirect_dma source(%dma_start3A_256 : memref<100000xf32, #tpu.memory_space<hbm>>) target(%dma_start3A_249 : memref<20xf32, #tpu.memory_space<vmem>>) offsets(%dma_start3A_251 : memref<20xi32, #tpu.memory_space<vmem>>) semaphore(%arg9 : memref<!tpu.dma_semaphore, #tpu.memory_space<semaphore_mem>>)
    %add3A_257 = arith.constant 23 : i32
    %add3A_258 = arith.addi %mul3A_2, %add3A_257 : i32
    %dma_start3A_259 = arith.constant 552 : i32
    %dma_start3A_260 = tpu.memref_slice %arg7[%dma_start3A_259] : memref<768xf32, #tpu.memory_space<vmem>> -> memref<20xf32, #tpu.memory_space<vmem>>
    %dma_start3A_261 = arith.constant 552 : i32
    %dma_start3A_262 = tpu.memref_slice %arg6[%dma_start3A_261] : memref<768xi32, #tpu.memory_space<vmem>> -> memref<20xi32, #tpu.memory_space<vmem>>
    %dma_start3A_263 = arith.constant 0 : i32
    %dma_start3A_264 = tpu.memref_slice %arg2[%add3A_258, %dma_start3A_263] : memref<1024x100000xf32, #tpu.memory_space<hbm>> -> memref<1x100000xf32, #tpu.memory_space<hbm>>
    %dma_start3A_265 = tpu.memref_squeeze %dma_start3A_264 : memref<1x100000xf32, #tpu.memory_space<hbm>> -> memref<100000xf32, #tpu.memory_space<hbm>>
    %dma_start3A_266 = arith.constant 0 : i32
    %dma_start3A_267 = tpu.memref_slice %dma_start3A_265[%dma_start3A_266] : memref<100000xf32, #tpu.memory_space<hbm>> -> memref<100000xf32, #tpu.memory_space<hbm>>
    tpu.enqueue_indirect_dma source(%dma_start3A_267 : memref<100000xf32, #tpu.memory_space<hbm>>) target(%dma_start3A_260 : memref<20xf32, #tpu.memory_space<vmem>>) offsets(%dma_start3A_262 : memref<20xi32, #tpu.memory_space<vmem>>) semaphore(%arg9 : memref<!tpu.dma_semaphore, #tpu.memory_space<semaphore_mem>>)
    %add3A_268 = arith.constant 24 : i32
    %add3A_269 = arith.addi %mul3A_2, %add3A_268 : i32
    %dma_start3A_270 = arith.constant 576 : i32
    %dma_start3A_271 = tpu.memref_slice %arg7[%dma_start3A_270] : memref<768xf32, #tpu.memory_space<vmem>> -> memref<20xf32, #tpu.memory_space<vmem>>
    %dma_start3A_272 = arith.constant 576 : i32
    %dma_start3A_273 = tpu.memref_slice %arg6[%dma_start3A_272] : memref<768xi32, #tpu.memory_space<vmem>> -> memref<20xi32, #tpu.memory_space<vmem>>
    %dma_start3A_274 = arith.constant 0 : i32
    %dma_start3A_275 = tpu.memref_slice %arg2[%add3A_269, %dma_start3A_274] : memref<1024x100000xf32, #tpu.memory_space<hbm>> -> memref<1x100000xf32, #tpu.memory_space<hbm>>
    %dma_start3A_276 = tpu.memref_squeeze %dma_start3A_275 : memref<1x100000xf32, #tpu.memory_space<hbm>> -> memref<100000xf32, #tpu.memory_space<hbm>>
    %dma_start3A_277 = arith.constant 0 : i32
    %dma_start3A_278 = tpu.memref_slice %dma_start3A_276[%dma_start3A_277] : memref<100000xf32, #tpu.memory_space<hbm>> -> memref<100000xf32, #tpu.memory_space<hbm>>
    tpu.enqueue_indirect_dma source(%dma_start3A_278 : memref<100000xf32, #tpu.memory_space<hbm>>) target(%dma_start3A_271 : memref<20xf32, #tpu.memory_space<vmem>>) offsets(%dma_start3A_273 : memref<20xi32, #tpu.memory_space<vmem>>) semaphore(%arg9 : memref<!tpu.dma_semaphore, #tpu.memory_space<semaphore_mem>>)
    %add3A_279 = arith.constant 25 : i32
    %add3A_280 = arith.addi %mul3A_2, %add3A_279 : i32
    %dma_start3A_281 = arith.constant 600 : i32
    %dma_start3A_282 = tpu.memref_slice %arg7[%dma_start3A_281] : memref<768xf32, #tpu.memory_space<vmem>> -> memref<20xf32, #tpu.memory_space<vmem>>
    %dma_start3A_283 = arith.constant 600 : i32
    %dma_start3A_284 = tpu.memref_slice %arg6[%dma_start3A_283] : memref<768xi32, #tpu.memory_space<vmem>> -> memref<20xi32, #tpu.memory_space<vmem>>
    %dma_start3A_285 = arith.constant 0 : i32
    %dma_start3A_286 = tpu.memref_slice %arg2[%add3A_280, %dma_start3A_285] : memref<1024x100000xf32, #tpu.memory_space<hbm>> -> memref<1x100000xf32, #tpu.memory_space<hbm>>
    %dma_start3A_287 = tpu.memref_squeeze %dma_start3A_286 : memref<1x100000xf32, #tpu.memory_space<hbm>> -> memref<100000xf32, #tpu.memory_space<hbm>>
    %dma_start3A_288 = arith.constant 0 : i32
    %dma_start3A_289 = tpu.memref_slice %dma_start3A_287[%dma_start3A_288] : memref<100000xf32, #tpu.memory_space<hbm>> -> memref<100000xf32, #tpu.memory_space<hbm>>
    tpu.enqueue_indirect_dma source(%dma_start3A_289 : memref<100000xf32, #tpu.memory_space<hbm>>) target(%dma_start3A_282 : memref<20xf32, #tpu.memory_space<vmem>>) offsets(%dma_start3A_284 : memref<20xi32, #tpu.memory_space<vmem>>) semaphore(%arg9 : memref<!tpu.dma_semaphore, #tpu.memory_space<semaphore_mem>>)
    %add3A_290 = arith.constant 26 : i32
    %add3A_291 = arith.addi %mul3A_2, %add3A_290 : i32
    %dma_start3A_292 = arith.constant 624 : i32
    %dma_start3A_293 = tpu.memref_slice %arg7[%dma_start3A_292] : memref<768xf32, #tpu.memory_space<vmem>> -> memref<20xf32, #tpu.memory_space<vmem>>
    %dma_start3A_294 = arith.constant 624 : i32
    %dma_start3A_295 = tpu.memref_slice %arg6[%dma_start3A_294] : memref<768xi32, #tpu.memory_space<vmem>> -> memref<20xi32, #tpu.memory_space<vmem>>
    %dma_start3A_296 = arith.constant 0 : i32
    %dma_start3A_297 = tpu.memref_slice %arg2[%add3A_291, %dma_start3A_296] : memref<1024x100000xf32, #tpu.memory_space<hbm>> -> memref<1x100000xf32, #tpu.memory_space<hbm>>
    %dma_start3A_298 = tpu.memref_squeeze %dma_start3A_297 : memref<1x100000xf32, #tpu.memory_space<hbm>> -> memref<100000xf32, #tpu.memory_space<hbm>>
    %dma_start3A_299 = arith.constant 0 : i32
    %dma_start3A_300 = tpu.memref_slice %dma_start3A_298[%dma_start3A_299] : memref<100000xf32, #tpu.memory_space<hbm>> -> memref<100000xf32, #tpu.memory_space<hbm>>
    tpu.enqueue_indirect_dma source(%dma_start3A_300 : memref<100000xf32, #tpu.memory_space<hbm>>) target(%dma_start3A_293 : memref<20xf32, #tpu.memory_space<vmem>>) offsets(%dma_start3A_295 : memref<20xi32, #tpu.memory_space<vmem>>) semaphore(%arg9 : memref<!tpu.dma_semaphore, #tpu.memory_space<semaphore_mem>>)
    %add3A_301 = arith.constant 27 : i32
    %add3A_302 = arith.addi %mul3A_2, %add3A_301 : i32
    %dma_start3A_303 = arith.constant 648 : i32
    %dma_start3A_304 = tpu.memref_slice %arg7[%dma_start3A_303] : memref<768xf32, #tpu.memory_space<vmem>> -> memref<20xf32, #tpu.memory_space<vmem>>
    %dma_start3A_305 = arith.constant 648 : i32
    %dma_start3A_306 = tpu.memref_slice %arg6[%dma_start3A_305] : memref<768xi32, #tpu.memory_space<vmem>> -> memref<20xi32, #tpu.memory_space<vmem>>
    %dma_start3A_307 = arith.constant 0 : i32
    %dma_start3A_308 = tpu.memref_slice %arg2[%add3A_302, %dma_start3A_307] : memref<1024x100000xf32, #tpu.memory_space<hbm>> -> memref<1x100000xf32, #tpu.memory_space<hbm>>
    %dma_start3A_309 = tpu.memref_squeeze %dma_start3A_308 : memref<1x100000xf32, #tpu.memory_space<hbm>> -> memref<100000xf32, #tpu.memory_space<hbm>>
    %dma_start3A_310 = arith.constant 0 : i32
    %dma_start3A_311 = tpu.memref_slice %dma_start3A_309[%dma_start3A_310] : memref<100000xf32, #tpu.memory_space<hbm>> -> memref<100000xf32, #tpu.memory_space<hbm>>
    tpu.enqueue_indirect_dma source(%dma_start3A_311 : memref<100000xf32, #tpu.memory_space<hbm>>) target(%dma_start3A_304 : memref<20xf32, #tpu.memory_space<vmem>>) offsets(%dma_start3A_306 : memref<20xi32, #tpu.memory_space<vmem>>) semaphore(%arg9 : memref<!tpu.dma_semaphore, #tpu.memory_space<semaphore_mem>>)
    %add3A_312 = arith.constant 28 : i32
    %add3A_313 = arith.addi %mul3A_2, %add3A_312 : i32
    %dma_start3A_314 = arith.constant 672 : i32
    %dma_start3A_315 = tpu.memref_slice %arg7[%dma_start3A_314] : memref<768xf32, #tpu.memory_space<vmem>> -> memref<20xf32, #tpu.memory_space<vmem>>
    %dma_start3A_316 = arith.constant 672 : i32
    %dma_start3A_317 = tpu.memref_slice %arg6[%dma_start3A_316] : memref<768xi32, #tpu.memory_space<vmem>> -> memref<20xi32, #tpu.memory_space<vmem>>
    %dma_start3A_318 = arith.constant 0 : i32
    %dma_start3A_319 = tpu.memref_slice %arg2[%add3A_313, %dma_start3A_318] : memref<1024x100000xf32, #tpu.memory_space<hbm>> -> memref<1x100000xf32, #tpu.memory_space<hbm>>
    %dma_start3A_320 = tpu.memref_squeeze %dma_start3A_319 : memref<1x100000xf32, #tpu.memory_space<hbm>> -> memref<100000xf32, #tpu.memory_space<hbm>>
    %dma_start3A_321 = arith.constant 0 : i32
    %dma_start3A_322 = tpu.memref_slice %dma_start3A_320[%dma_start3A_321] : memref<100000xf32, #tpu.memory_space<hbm>> -> memref<100000xf32, #tpu.memory_space<hbm>>
    tpu.enqueue_indirect_dma source(%dma_start3A_322 : memref<100000xf32, #tpu.memory_space<hbm>>) target(%dma_start3A_315 : memref<20xf32, #tpu.memory_space<vmem>>) offsets(%dma_start3A_317 : memref<20xi32, #tpu.memory_space<vmem>>) semaphore(%arg9 : memref<!tpu.dma_semaphore, #tpu.memory_space<semaphore_mem>>)
    %add3A_323 = arith.constant 29 : i32
    %add3A_324 = arith.addi %mul3A_2, %add3A_323 : i32
    %dma_start3A_325 = arith.constant 696 : i32
    %dma_start3A_326 = tpu.memref_slice %arg7[%dma_start3A_325] : memref<768xf32, #tpu.memory_space<vmem>> -> memref<20xf32, #tpu.memory_space<vmem>>
    %dma_start3A_327 = arith.constant 696 : i32
    %dma_start3A_328 = tpu.memref_slice %arg6[%dma_start3A_327] : memref<768xi32, #tpu.memory_space<vmem>> -> memref<20xi32, #tpu.memory_space<vmem>>
    %dma_start3A_329 = arith.constant 0 : i32
    %dma_start3A_330 = tpu.memref_slice %arg2[%add3A_324, %dma_start3A_329] : memref<1024x100000xf32, #tpu.memory_space<hbm>> -> memref<1x100000xf32, #tpu.memory_space<hbm>>
    %dma_start3A_331 = tpu.memref_squeeze %dma_start3A_330 : memref<1x100000xf32, #tpu.memory_space<hbm>> -> memref<100000xf32, #tpu.memory_space<hbm>>
    %dma_start3A_332 = arith.constant 0 : i32
    %dma_start3A_333 = tpu.memref_slice %dma_start3A_331[%dma_start3A_332] : memref<100000xf32, #tpu.memory_space<hbm>> -> memref<100000xf32, #tpu.memory_space<hbm>>
    tpu.enqueue_indirect_dma source(%dma_start3A_333 : memref<100000xf32, #tpu.memory_space<hbm>>) target(%dma_start3A_326 : memref<20xf32, #tpu.memory_space<vmem>>) offsets(%dma_start3A_328 : memref<20xi32, #tpu.memory_space<vmem>>) semaphore(%arg9 : memref<!tpu.dma_semaphore, #tpu.memory_space<semaphore_mem>>)
    %add3A_334 = arith.constant 30 : i32
    %add3A_335 = arith.addi %mul3A_2, %add3A_334 : i32
    %dma_start3A_336 = arith.constant 720 : i32
    %dma_start3A_337 = tpu.memref_slice %arg7[%dma_start3A_336] : memref<768xf32, #tpu.memory_space<vmem>> -> memref<20xf32, #tpu.memory_space<vmem>>
    %dma_start3A_338 = arith.constant 720 : i32
    %dma_start3A_339 = tpu.memref_slice %arg6[%dma_start3A_338] : memref<768xi32, #tpu.memory_space<vmem>> -> memref<20xi32, #tpu.memory_space<vmem>>
    %dma_start3A_340 = arith.constant 0 : i32
    %dma_start3A_341 = tpu.memref_slice %arg2[%add3A_335, %dma_start3A_340] : memref<1024x100000xf32, #tpu.memory_space<hbm>> -> memref<1x100000xf32, #tpu.memory_space<hbm>>
    %dma_start3A_342 = tpu.memref_squeeze %dma_start3A_341 : memref<1x100000xf32, #tpu.memory_space<hbm>> -> memref<100000xf32, #tpu.memory_space<hbm>>
    %dma_start3A_343 = arith.constant 0 : i32
    %dma_start3A_344 = tpu.memref_slice %dma_start3A_342[%dma_start3A_343] : memref<100000xf32, #tpu.memory_space<hbm>> -> memref<100000xf32, #tpu.memory_space<hbm>>
    tpu.enqueue_indirect_dma source(%dma_start3A_344 : memref<100000xf32, #tpu.memory_space<hbm>>) target(%dma_start3A_337 : memref<20xf32, #tpu.memory_space<vmem>>) offsets(%dma_start3A_339 : memref<20xi32, #tpu.memory_space<vmem>>) semaphore(%arg9 : memref<!tpu.dma_semaphore, #tpu.memory_space<semaphore_mem>>)
    %add3A_345 = arith.constant 31 : i32
    %add3A_346 = arith.addi %mul3A_2, %add3A_345 : i32
    %dma_start3A_347 = arith.constant 744 : i32
    %dma_start3A_348 = tpu.memref_slice %arg7[%dma_start3A_347] : memref<768xf32, #tpu.memory_space<vmem>> -> memref<20xf32, #tpu.memory_space<vmem>>
    %dma_start3A_349 = arith.constant 744 : i32
    %dma_start3A_350 = tpu.memref_slice %arg6[%dma_start3A_349] : memref<768xi32, #tpu.memory_space<vmem>> -> memref<20xi32, #tpu.memory_space<vmem>>
    %dma_start3A_351 = arith.constant 0 : i32
    %dma_start3A_352 = tpu.memref_slice %arg2[%add3A_346, %dma_start3A_351] : memref<1024x100000xf32, #tpu.memory_space<hbm>> -> memref<1x100000xf32, #tpu.memory_space<hbm>>
    %dma_start3A_353 = tpu.memref_squeeze %dma_start3A_352 : memref<1x100000xf32, #tpu.memory_space<hbm>> -> memref<100000xf32, #tpu.memory_space<hbm>>
    %dma_start3A_354 = arith.constant 0 : i32
    %dma_start3A_355 = tpu.memref_slice %dma_start3A_353[%dma_start3A_354] : memref<100000xf32, #tpu.memory_space<hbm>> -> memref<100000xf32, #tpu.memory_space<hbm>>
    tpu.enqueue_indirect_dma source(%dma_start3A_355 : memref<100000xf32, #tpu.memory_space<hbm>>) target(%dma_start3A_348 : memref<20xf32, #tpu.memory_space<vmem>>) offsets(%dma_start3A_350 : memref<20xi32, #tpu.memory_space<vmem>>) semaphore(%arg9 : memref<!tpu.dma_semaphore, #tpu.memory_space<semaphore_mem>>)
    %add3A_356 = arith.constant 0 : i32
    %add3A_357 = arith.addi %mul3A_2, %add3A_356 : i32
    %dma_start3A_358 = arith.constant 0 : i32
    %dma_start3A_359 = arith.constant 0 : i32
    %dma_start3A_360 = tpu.memref_slice %arg8[%dma_start3A_359] : memref<100000xf32, #tpu.memory_space<vmem>> -> memref<50000xf32, #tpu.memory_space<vmem>>
    %dma_start3A_361 = arith.constant 0 : i32
    %dma_start3A_362 = tpu.memref_slice %arg2[%add3A_357, %dma_start3A_361] : memref<1024x100000xf32, #tpu.memory_space<hbm>> -> memref<1x100000xf32, #tpu.memory_space<hbm>>
    %dma_start3A_363 = tpu.memref_squeeze %dma_start3A_362 : memref<1x100000xf32, #tpu.memory_space<hbm>> -> memref<100000xf32, #tpu.memory_space<hbm>>
    %dma_start3A_364 = arith.constant 0 : i32
    %dma_start3A_365 = tpu.memref_slice %dma_start3A_363[%dma_start3A_364] : memref<100000xf32, #tpu.memory_space<hbm>> -> memref<50000xf32, #tpu.memory_space<hbm>>
    %dma_start3A_366 = tpu.memref_slice %arg10[%dma_start3A_358] : memref<2x!tpu.dma_semaphore, #tpu.memory_space<semaphore_mem>> -> memref<1x!tpu.dma_semaphore, #tpu.memory_space<semaphore_mem>>
    %dma_start3A_367 = tpu.memref_squeeze %dma_start3A_366 : memref<1x!tpu.dma_semaphore, #tpu.memory_space<semaphore_mem>> -> memref<!tpu.dma_semaphore, #tpu.memory_space<semaphore_mem>>
    %dma_start3A_368 = arith.constant 0 : i32
    %dma_start3A_369 = tpu.memref_slice %arg8[%dma_start3A_368] : memref<100000xf32, #tpu.memory_space<vmem>> -> memref<50000xf32, #tpu.memory_space<vmem>>
    %dma_start3A_370 = arith.constant 0 : i32
    %dma_start3A_371 = tpu.memref_slice %arg2[%add3A_357, %dma_start3A_370] : memref<1024x100000xf32, #tpu.memory_space<hbm>> -> memref<1x100000xf32, #tpu.memory_space<hbm>>
    %dma_start3A_372 = tpu.memref_squeeze %dma_start3A_371 : memref<1x100000xf32, #tpu.memory_space<hbm>> -> memref<100000xf32, #tpu.memory_space<hbm>>
    %dma_start3A_373 = arith.constant 0 : i32
    %dma_start3A_374 = tpu.memref_slice %dma_start3A_372[%dma_start3A_373] : memref<100000xf32, #tpu.memory_space<hbm>> -> memref<50000xf32, #tpu.memory_space<hbm>>
    tpu.enqueue_dma source(%dma_start3A_374 : memref<50000xf32, #tpu.memory_space<hbm>>) target(%dma_start3A_369 : memref<50000xf32, #tpu.memory_space<vmem>>) target_semaphore(%dma_start3A_367 : memref<!tpu.dma_semaphore, #tpu.memory_space<semaphore_mem>>)
    %broadcast_in_dim3A = arith.constant 0.000000e+00 : f32
    %broadcast_in_dim3A_375 = vector.broadcast %broadcast_in_dim3A : f32 to vector<16xf32>
    %scan3A = arith.constant 0 : i32
    %scan3A_376 = arith.constant 64 : i32
    %scan3A_377 = arith.addi %scan3A, %scan3A_376 : i32
    %scan3A_378 = arith.constant 1 : i32
    %scan3A_379 = scf.for %scan3A_727 = %scan3A to %scan3A_377 step %scan3A_378 iter_args(%scan3A_728 = %broadcast_in_dim3A_375) -> (vector<16xf32>)  : i32 {
      %rem3A_729 = arith.constant 2 : i32
      %rem3A_730 = arith.remsi %scan3A_727, %rem3A_729 : i32
      %add3A_731 = arith.constant 1 : i32
      %add3A_732 = arith.addi %scan3A_727, %add3A_731 : i32
      %rem3A_733 = arith.constant 2 : i32
      %rem3A_734 = arith.remsi %add3A_732, %rem3A_733 : i32
      %add3A_735 = arith.constant 1 : i32
      %add3A_736 = arith.addi %scan3A_727, %add3A_735 : i32
      %rem3A_737 = arith.constant 64 : i32
      %rem3A_738 = arith.remsi %add3A_736, %rem3A_737 : i32
      %jit3A = arith.constant 2 : i32
      %div3A = arith.divsi %rem3A_738, %jit3A : i32
      %sign3A = arith.constant 0 : i32
      %sign3A_739 = arith.cmpi sgt, %rem3A_738, %sign3A : i32
      %sign3A_740 = arith.extui %sign3A_739 : i1 to i32
      %sign3A_741 = arith.constant 0 : i32
      %sign3A_742 = arith.cmpi slt, %rem3A_738, %sign3A_741 : i32
      %sign3A_743 = arith.extui %sign3A_742 : i1 to i32
      %sign3A_744 = arith.subi %sign3A_740, %sign3A_743 : i32
      %sign3A_745 = arith.constant 0 : i32
      %sign3A_746 = arith.cmpi sgt, %jit3A, %sign3A_745 : i32
      %sign3A_747 = arith.extui %sign3A_746 : i1 to i32
      %sign3A_748 = arith.constant 0 : i32
      %sign3A_749 = arith.cmpi slt, %jit3A, %sign3A_748 : i32
      %sign3A_750 = arith.extui %sign3A_749 : i1 to i32
      %sign3A_751 = arith.subi %sign3A_747, %sign3A_750 : i32
      %ne3A = arith.cmpi ne, %sign3A_744, %sign3A_751 : i32
      %rem3A_752 = arith.remsi %rem3A_738, %jit3A : i32
      %ne3A_753 = arith.constant 0 : i32
      %ne3A_754 = arith.cmpi ne, %rem3A_752, %ne3A_753 : i32
      %and3A = arith.andi %ne3A, %ne3A_754 : i1
      %sub3A = arith.constant 1 : i32
      %sub3A_755 = arith.subi %div3A, %sub3A : i32
      %select_n3A = arith.select %and3A, %sub3A_755, %div3A : i32
      %add3A_756 = arith.addi %mul3A_2, %select_n3A : i32
      %jit3A_757 = arith.constant 2 : i32
      %eq3A = arith.constant 0 : i32
      %eq3A_758 = arith.cmpi eq, %jit3A_757, %eq3A : i32
      %jit3A_759 = arith.constant 1 : i32
      %select_n3A_760 = arith.select %eq3A_758, %jit3A_759, %jit3A_757 : i32
      %rem3A_761 = arith.remsi %rem3A_738, %select_n3A_760 : i32
      %ne3A_762 = arith.constant 0 : i32
      %ne3A_763 = arith.cmpi ne, %rem3A_761, %ne3A_762 : i32
      %lt3A = arith.constant 0 : i32
      %lt3A_764 = arith.cmpi slt, %rem3A_761, %lt3A : i32
      %lt3A_765 = arith.constant 0 : i32
      %lt3A_766 = arith.cmpi slt, %select_n3A_760, %lt3A_765 : i32
      %ne3A_767 = arith.xori %lt3A_764, %lt3A_766 : i1
      %and3A_768 = arith.andi %ne3A_767, %ne3A_763 : i1
      %add3A_769 = arith.addi %rem3A_761, %select_n3A_760 : i32
      %select_n3A_770 = arith.select %and3A_768, %add3A_769, %rem3A_761 : i32
      %mul3A_771 = arith.constant 50000 : i32
      %mul3A_772 = arith.muli %select_n3A_770, %mul3A_771 : i32
      %mul3A_773 = arith.constant 50000 : i32
      %mul3A_774 = arith.muli %rem3A_734, %mul3A_773 : i32
      %dma_start3A_775 = tpu.memref_slice %arg8[%mul3A_774] : memref<100000xf32, #tpu.memory_space<vmem>> -> memref<50000xf32, #tpu.memory_space<vmem>>
      %dma_start3A_776 = arith.constant 0 : i32
      %dma_start3A_777 = tpu.memref_slice %arg2[%add3A_756, %dma_start3A_776] : memref<1024x100000xf32, #tpu.memory_space<hbm>> -> memref<1x100000xf32, #tpu.memory_space<hbm>>
      %dma_start3A_778 = tpu.memref_squeeze %dma_start3A_777 : memref<1x100000xf32, #tpu.memory_space<hbm>> -> memref<100000xf32, #tpu.memory_space<hbm>>
      %dma_start3A_779 = tpu.memref_slice %dma_start3A_778[%mul3A_772] : memref<100000xf32, #tpu.memory_space<hbm>> -> memref<50000xf32, #tpu.memory_space<hbm>>
      %dma_start3A_780 = tpu.memref_slice %arg10[%rem3A_734] : memref<2x!tpu.dma_semaphore, #tpu.memory_space<semaphore_mem>> -> memref<1x!tpu.dma_semaphore, #tpu.memory_space<semaphore_mem>>
      %dma_start3A_781 = tpu.memref_squeeze %dma_start3A_780 : memref<1x!tpu.dma_semaphore, #tpu.memory_space<semaphore_mem>> -> memref<!tpu.dma_semaphore, #tpu.memory_space<semaphore_mem>>
      %dma_start3A_782 = tpu.memref_slice %arg8[%mul3A_774] : memref<100000xf32, #tpu.memory_space<vmem>> -> memref<50000xf32, #tpu.memory_space<vmem>>
      %dma_start3A_783 = arith.constant 0 : i32
      %dma_start3A_784 = tpu.memref_slice %arg2[%add3A_756, %dma_start3A_783] : memref<1024x100000xf32, #tpu.memory_space<hbm>> -> memref<1x100000xf32, #tpu.memory_space<hbm>>
      %dma_start3A_785 = tpu.memref_squeeze %dma_start3A_784 : memref<1x100000xf32, #tpu.memory_space<hbm>> -> memref<100000xf32, #tpu.memory_space<hbm>>
      %dma_start3A_786 = tpu.memref_slice %dma_start3A_785[%mul3A_772] : memref<100000xf32, #tpu.memory_space<hbm>> -> memref<50000xf32, #tpu.memory_space<hbm>>
      tpu.enqueue_dma source(%dma_start3A_786 : memref<50000xf32, #tpu.memory_space<hbm>>) target(%dma_start3A_782 : memref<50000xf32, #tpu.memory_space<vmem>>) target_semaphore(%dma_start3A_781 : memref<!tpu.dma_semaphore, #tpu.memory_space<semaphore_mem>>)
      %add3A_787 = arith.constant 0 : i32
      %add3A_788 = arith.addi %mul3A_2, %add3A_787 : i32
      %dma_wait3A_789 = arith.constant 0 : i32
      %dma_wait3A_790 = tpu.memref_slice %arg8[%dma_wait3A_789] : memref<100000xf32, #tpu.memory_space<vmem>> -> memref<50000xf32, #tpu.memory_space<vmem>>
      %dma_wait3A_791 = arith.constant 0 : i32
      %dma_wait3A_792 = tpu.memref_slice %arg2[%add3A_788, %dma_wait3A_791] : memref<1024x100000xf32, #tpu.memory_space<hbm>> -> memref<1x100000xf32, #tpu.memory_space<hbm>>
      %dma_wait3A_793 = tpu.memref_squeeze %dma_wait3A_792 : memref<1x100000xf32, #tpu.memory_space<hbm>> -> memref<100000xf32, #tpu.memory_space<hbm>>
      %dma_wait3A_794 = arith.constant 0 : i32
      %dma_wait3A_795 = tpu.memref_slice %dma_wait3A_793[%dma_wait3A_794] : memref<100000xf32, #tpu.memory_space<hbm>> -> memref<50000xf32, #tpu.memory_space<hbm>>
      %dma_wait3A_796 = tpu.memref_slice %arg10[%rem3A_730] : memref<2x!tpu.dma_semaphore, #tpu.memory_space<semaphore_mem>> -> memref<1x!tpu.dma_semaphore, #tpu.memory_space<semaphore_mem>>
      %dma_wait3A_797 = tpu.memref_squeeze %dma_wait3A_796 : memref<1x!tpu.dma_semaphore, #tpu.memory_space<semaphore_mem>> -> memref<!tpu.dma_semaphore, #tpu.memory_space<semaphore_mem>>
      %dma_wait3A_798 = arith.constant 0 : i32
      %dma_wait3A_799 = tpu.memref_slice %arg8[%dma_wait3A_798] : memref<100000xf32, #tpu.memory_space<vmem>> -> memref<50000xf32, #tpu.memory_space<vmem>>
      %dma_wait3A_800 = arith.constant 0 : i32
      %dma_wait3A_801 = tpu.memref_slice %arg2[%add3A_788, %dma_wait3A_800] : memref<1024x100000xf32, #tpu.memory_space<hbm>> -> memref<1x100000xf32, #tpu.memory_space<hbm>>
      %dma_wait3A_802 = tpu.memref_squeeze %dma_wait3A_801 : memref<1x100000xf32, #tpu.memory_space<hbm>> -> memref<100000xf32, #tpu.memory_space<hbm>>
      %dma_wait3A_803 = arith.constant 0 : i32
      %dma_wait3A_804 = tpu.memref_slice %dma_wait3A_802[%dma_wait3A_803] : memref<100000xf32, #tpu.memory_space<hbm>> -> memref<50000xf32, #tpu.memory_space<hbm>>
      tpu.wait_dma2 semaphore(%dma_wait3A_797 : memref<!tpu.dma_semaphore, #tpu.memory_space<semaphore_mem>>) src(%dma_wait3A_804 : memref<50000xf32, #tpu.memory_space<hbm>>) dst(%dma_wait3A_799 : memref<50000xf32, #tpu.memory_space<vmem>>)
      %mul3A_805 = arith.constant 50000 : i32
      %mul3A_806 = arith.muli %rem3A_730, %mul3A_805 : i32
      %broadcast_in_dim3A_807 = arith.constant 0.000000e+00 : f32
      %broadcast_in_dim3A_808 = vector.broadcast %broadcast_in_dim3A_807 : f32 to vector<16xf32>
      %scan3A_809 = arith.constant 0 : i32
      %scan3A_810 = arith.constant 125 : i32
      %scan3A_811 = arith.addi %scan3A_809, %scan3A_810 : i32
      %scan3A_812 = arith.constant 1 : i32
      %scan3A_813:8 = scf.for %scan3A_823 = %scan3A_809 to %scan3A_811 step %scan3A_812 iter_args(%scan3A_824 = %broadcast_in_dim3A_808, %scan3A_825 = %broadcast_in_dim3A_808, %scan3A_826 = %broadcast_in_dim3A_808, %scan3A_827 = %broadcast_in_dim3A_808, %scan3A_828 = %broadcast_in_dim3A_808, %scan3A_829 = %broadcast_in_dim3A_808, %scan3A_830 = %broadcast_in_dim3A_808, %scan3A_831 = %broadcast_in_dim3A_808) -> (vector<16xf32>, vector<16xf32>, vector<16xf32>, vector<16xf32>, vector<16xf32>, vector<16xf32>, vector<16xf32>, vector<16xf32>)  : i32 {
        %mul3A_832 = arith.constant 400 : i32
        %mul3A_833 = arith.muli %scan3A_823, %mul3A_832 : i32
        %add3A_834 = arith.addi %mul3A_806, %mul3A_833 : i32
        %add3A_835 = arith.constant 0 : i32
        %add3A_836 = arith.addi %add3A_834, %add3A_835 : i32
        %get3A = arith.index_cast %add3A_836 : i32 to index
        %get3A_837 = tpu.vector_load %arg8[%get3A] {strides = array<i32>} : memref<100000xf32, #tpu.memory_space<vmem>>, vector<16xf32>,
        %get3A_838 = vector.shape_cast %get3A_837 : vector<16xf32> to vector<16xf32>
        %add3A_839 = arith.addf %scan3A_824, %get3A_838 : vector<16xf32>
        %add3A_840 = arith.constant 16 : i32
        %add3A_841 = arith.addi %add3A_834, %add3A_840 : i32
        %get3A_842 = arith.index_cast %add3A_841 : i32 to index
        %get3A_843 = tpu.vector_load %arg8[%get3A_842] {strides = array<i32>} : memref<100000xf32, #tpu.memory_space<vmem>>, vector<16xf32>,
        %get3A_844 = vector.shape_cast %get3A_843 : vector<16xf32> to vector<16xf32>
        %add3A_845 = arith.addf %scan3A_825, %get3A_844 : vector<16xf32>
        %add3A_846 = arith.constant 32 : i32
        %add3A_847 = arith.addi %add3A_834, %add3A_846 : i32
        %get3A_848 = arith.index_cast %add3A_847 : i32 to index
        %get3A_849 = tpu.vector_load %arg8[%get3A_848] {strides = array<i32>} : memref<100000xf32, #tpu.memory_space<vmem>>, vector<16xf32>,
        %get3A_850 = vector.shape_cast %get3A_849 : vector<16xf32> to vector<16xf32>
        %add3A_851 = arith.addf %scan3A_826, %get3A_850 : vector<16xf32>
        %add3A_852 = arith.constant 48 : i32
        %add3A_853 = arith.addi %add3A_834, %add3A_852 : i32
        %get3A_854 = arith.index_cast %add3A_853 : i32 to index
        %get3A_855 = tpu.vector_load %arg8[%get3A_854] {strides = array<i32>} : memref<100000xf32, #tpu.memory_space<vmem>>, vector<16xf32>,
        %get3A_856 = vector.shape_cast %get3A_855 : vector<16xf32> to vector<16xf32>
        %add3A_857 = arith.addf %scan3A_827, %get3A_856 : vector<16xf32>
        %add3A_858 = arith.constant 64 : i32
        %add3A_859 = arith.addi %add3A_834, %add3A_858 : i32
        %get3A_860 = arith.index_cast %add3A_859 : i32 to index
        %get3A_861 = tpu.vector_load %arg8[%get3A_860] {strides = array<i32>} : memref<100000xf32, #tpu.memory_space<vmem>>, vector<16xf32>,
        %get3A_862 = vector.shape_cast %get3A_861 : vector<16xf32> to vector<16xf32>
        %add3A_863 = arith.addf %scan3A_828, %get3A_862 : vector<16xf32>
        %add3A_864 = arith.constant 80 : i32
        %add3A_865 = arith.addi %add3A_834, %add3A_864 : i32
        %get3A_866 = arith.index_cast %add3A_865 : i32 to index
        %get3A_867 = tpu.vector_load %arg8[%get3A_866] {strides = array<i32>} : memref<100000xf32, #tpu.memory_space<vmem>>, vector<16xf32>,
        %get3A_868 = vector.shape_cast %get3A_867 : vector<16xf32> to vector<16xf32>
        %add3A_869 = arith.addf %scan3A_829, %get3A_868 : vector<16xf32>
        %add3A_870 = arith.constant 96 : i32
        %add3A_871 = arith.addi %add3A_834, %add3A_870 : i32
        %get3A_872 = arith.index_cast %add3A_871 : i32 to index
        %get3A_873 = tpu.vector_load %arg8[%get3A_872] {strides = array<i32>} : memref<100000xf32, #tpu.memory_space<vmem>>, vector<16xf32>,
        %get3A_874 = vector.shape_cast %get3A_873 : vector<16xf32> to vector<16xf32>
        %add3A_875 = arith.addf %scan3A_830, %get3A_874 : vector<16xf32>
        %add3A_876 = arith.constant 112 : i32
        %add3A_877 = arith.addi %add3A_834, %add3A_876 : i32
        %get3A_878 = arith.index_cast %add3A_877 : i32 to index
        %get3A_879 = tpu.vector_load %arg8[%get3A_878] {strides = array<i32>} : memref<100000xf32, #tpu.memory_space<vmem>>, vector<16xf32>,
        %get3A_880 = vector.shape_cast %get3A_879 : vector<16xf32> to vector<16xf32>
        %add3A_881 = arith.addf %scan3A_831, %get3A_880 : vector<16xf32>
        %add3A_882 = arith.constant 128 : i32
        %add3A_883 = arith.addi %add3A_834, %add3A_882 : i32
        %get3A_884 = arith.index_cast %add3A_883 : i32 to index
        %get3A_885 = tpu.vector_load %arg8[%get3A_884] {strides = array<i32>} : memref<100000xf32, #tpu.memory_space<vmem>>, vector<16xf32>,
        %get3A_886 = vector.shape_cast %get3A_885 : vector<16xf32> to vector<16xf32>
        %add3A_887 = arith.addf %add3A_839, %get3A_886 : vector<16xf32>
        %add3A_888 = arith.constant 144 : i32
        %add3A_889 = arith.addi %add3A_834, %add3A_888 : i32
        %get3A_890 = arith.index_cast %add3A_889 : i32 to index
        %get3A_891 = tpu.vector_load %arg8[%get3A_890] {strides = array<i32>} : memref<100000xf32, #tpu.memory_space<vmem>>, vector<16xf32>,
        %get3A_892 = vector.shape_cast %get3A_891 : vector<16xf32> to vector<16xf32>
        %add3A_893 = arith.addf %add3A_845, %get3A_892 : vector<16xf32>
        %add3A_894 = arith.constant 160 : i32
        %add3A_895 = arith.addi %add3A_834, %add3A_894 : i32
        %get3A_896 = arith.index_cast %add3A_895 : i32 to index
        %get3A_897 = tpu.vector_load %arg8[%get3A_896] {strides = array<i32>} : memref<100000xf32, #tpu.memory_space<vmem>>, vector<16xf32>,
        %get3A_898 = vector.shape_cast %get3A_897 : vector<16xf32> to vector<16xf32>
        %add3A_899 = arith.addf %add3A_851, %get3A_898 : vector<16xf32>
        %add3A_900 = arith.constant 176 : i32
        %add3A_901 = arith.addi %add3A_834, %add3A_900 : i32
        %get3A_902 = arith.index_cast %add3A_901 : i32 to index
        %get3A_903 = tpu.vector_load %arg8[%get3A_902] {strides = array<i32>} : memref<100000xf32, #tpu.memory_space<vmem>>, vector<16xf32>,
        %get3A_904 = vector.shape_cast %get3A_903 : vector<16xf32> to vector<16xf32>
        %add3A_905 = arith.addf %add3A_857, %get3A_904 : vector<16xf32>
        %add3A_906 = arith.constant 192 : i32
        %add3A_907 = arith.addi %add3A_834, %add3A_906 : i32
        %get3A_908 = arith.index_cast %add3A_907 : i32 to index
        %get3A_909 = tpu.vector_load %arg8[%get3A_908] {strides = array<i32>} : memref<100000xf32, #tpu.memory_space<vmem>>, vector<16xf32>,
        %get3A_910 = vector.shape_cast %get3A_909 : vector<16xf32> to vector<16xf32>
        %add3A_911 = arith.addf %add3A_863, %get3A_910 : vector<16xf32>
        %add3A_912 = arith.constant 208 : i32
        %add3A_913 = arith.addi %add3A_834, %add3A_912 : i32
        %get3A_914 = arith.index_cast %add3A_913 : i32 to index
        %get3A_915 = tpu.vector_load %arg8[%get3A_914] {strides = array<i32>} : memref<100000xf32, #tpu.memory_space<vmem>>, vector<16xf32>,
        %get3A_916 = vector.shape_cast %get3A_915 : vector<16xf32> to vector<16xf32>
        %add3A_917 = arith.addf %add3A_869, %get3A_916 : vector<16xf32>
        %add3A_918 = arith.constant 224 : i32
        %add3A_919 = arith.addi %add3A_834, %add3A_918 : i32
        %get3A_920 = arith.index_cast %add3A_919 : i32 to index
        %get3A_921 = tpu.vector_load %arg8[%get3A_920] {strides = array<i32>} : memref<100000xf32, #tpu.memory_space<vmem>>, vector<16xf32>,
        %get3A_922 = vector.shape_cast %get3A_921 : vector<16xf32> to vector<16xf32>
        %add3A_923 = arith.addf %add3A_875, %get3A_922 : vector<16xf32>
        %add3A_924 = arith.constant 240 : i32
        %add3A_925 = arith.addi %add3A_834, %add3A_924 : i32
        %get3A_926 = arith.index_cast %add3A_925 : i32 to index
        %get3A_927 = tpu.vector_load %arg8[%get3A_926] {strides = array<i32>} : memref<100000xf32, #tpu.memory_space<vmem>>, vector<16xf32>,
        %get3A_928 = vector.shape_cast %get3A_927 : vector<16xf32> to vector<16xf32>
        %add3A_929 = arith.addf %add3A_881, %get3A_928 : vector<16xf32>
        %add3A_930 = arith.constant 256 : i32
        %add3A_931 = arith.addi %add3A_834, %add3A_930 : i32
        %get3A_932 = arith.index_cast %add3A_931 : i32 to index
        %get3A_933 = tpu.vector_load %arg8[%get3A_932] {strides = array<i32>} : memref<100000xf32, #tpu.memory_space<vmem>>, vector<16xf32>,
        %get3A_934 = vector.shape_cast %get3A_933 : vector<16xf32> to vector<16xf32>
        %add3A_935 = arith.addf %add3A_887, %get3A_934 : vector<16xf32>
        %add3A_936 = arith.constant 272 : i32
        %add3A_937 = arith.addi %add3A_834, %add3A_936 : i32
        %get3A_938 = arith.index_cast %add3A_937 : i32 to index
        %get3A_939 = tpu.vector_load %arg8[%get3A_938] {strides = array<i32>} : memref<100000xf32, #tpu.memory_space<vmem>>, vector<16xf32>,
        %get3A_940 = vector.shape_cast %get3A_939 : vector<16xf32> to vector<16xf32>
        %add3A_941 = arith.addf %add3A_893, %get3A_940 : vector<16xf32>
        %add3A_942 = arith.constant 288 : i32
        %add3A_943 = arith.addi %add3A_834, %add3A_942 : i32
        %get3A_944 = arith.index_cast %add3A_943 : i32 to index
        %get3A_945 = tpu.vector_load %arg8[%get3A_944] {strides = array<i32>} : memref<100000xf32, #tpu.memory_space<vmem>>, vector<16xf32>,
        %get3A_946 = vector.shape_cast %get3A_945 : vector<16xf32> to vector<16xf32>
        %add3A_947 = arith.addf %add3A_899, %get3A_946 : vector<16xf32>
        %add3A_948 = arith.constant 304 : i32
        %add3A_949 = arith.addi %add3A_834, %add3A_948 : i32
        %get3A_950 = arith.index_cast %add3A_949 : i32 to index
        %get3A_951 = tpu.vector_load %arg8[%get3A_950] {strides = array<i32>} : memref<100000xf32, #tpu.memory_space<vmem>>, vector<16xf32>,
        %get3A_952 = vector.shape_cast %get3A_951 : vector<16xf32> to vector<16xf32>
        %add3A_953 = arith.addf %add3A_905, %get3A_952 : vector<16xf32>
        %add3A_954 = arith.constant 320 : i32
        %add3A_955 = arith.addi %add3A_834, %add3A_954 : i32
        %get3A_956 = arith.index_cast %add3A_955 : i32 to index
        %get3A_957 = tpu.vector_load %arg8[%get3A_956] {strides = array<i32>} : memref<100000xf32, #tpu.memory_space<vmem>>, vector<16xf32>,
        %get3A_958 = vector.shape_cast %get3A_957 : vector<16xf32> to vector<16xf32>
        %add3A_959 = arith.addf %add3A_911, %get3A_958 : vector<16xf32>
        %add3A_960 = arith.constant 336 : i32
        %add3A_961 = arith.addi %add3A_834, %add3A_960 : i32
        %get3A_962 = arith.index_cast %add3A_961 : i32 to index
        %get3A_963 = tpu.vector_load %arg8[%get3A_962] {strides = array<i32>} : memref<100000xf32, #tpu.memory_space<vmem>>, vector<16xf32>,
        %get3A_964 = vector.shape_cast %get3A_963 : vector<16xf32> to vector<16xf32>
        %add3A_965 = arith.addf %add3A_917, %get3A_964 : vector<16xf32>
        %add3A_966 = arith.constant 352 : i32
        %add3A_967 = arith.addi %add3A_834, %add3A_966 : i32
        %get3A_968 = arith.index_cast %add3A_967 : i32 to index
        %get3A_969 = tpu.vector_load %arg8[%get3A_968] {strides = array<i32>} : memref<100000xf32, #tpu.memory_space<vmem>>, vector<16xf32>,
        %get3A_970 = vector.shape_cast %get3A_969 : vector<16xf32> to vector<16xf32>
        %add3A_971 = arith.addf %add3A_923, %get3A_970 : vector<16xf32>
        %add3A_972 = arith.constant 368 : i32
        %add3A_973 = arith.addi %add3A_834, %add3A_972 : i32
        %get3A_974 = arith.index_cast %add3A_973 : i32 to index
        %get3A_975 = tpu.vector_load %arg8[%get3A_974] {strides = array<i32>} : memref<100000xf32, #tpu.memory_space<vmem>>, vector<16xf32>,
        %get3A_976 = vector.shape_cast %get3A_975 : vector<16xf32> to vector<16xf32>
        %add3A_977 = arith.addf %add3A_929, %get3A_976 : vector<16xf32>
        %add3A_978 = arith.constant 384 : i32
        %add3A_979 = arith.addi %add3A_834, %add3A_978 : i32
        %get3A_980 = arith.index_cast %add3A_979 : i32 to index
        %get3A_981 = tpu.vector_load %arg8[%get3A_980] {strides = array<i32>} : memref<100000xf32, #tpu.memory_space<vmem>>, vector<16xf32>,
        %get3A_982 = vector.shape_cast %get3A_981 : vector<16xf32> to vector<16xf32>
        %add3A_983 = arith.addf %add3A_935, %get3A_982 : vector<16xf32>
        scf.yield %add3A_983, %add3A_941, %add3A_947, %add3A_953, %add3A_959, %add3A_965, %add3A_971, %add3A_977 : vector<16xf32>, vector<16xf32>, vector<16xf32>, vector<16xf32>, vector<16xf32>, vector<16xf32>, vector<16xf32>, vector<16xf32>
      }
      %scan3A_814 = arith.constant 125 : i32
      %add3A_815 = arith.addf %scan3A_813#0, %scan3A_813#1 : vector<16xf32>
      %add3A_816 = arith.addf %add3A_815, %scan3A_813#2 : vector<16xf32>
      %add3A_817 = arith.addf %add3A_816, %scan3A_813#3 : vector<16xf32>
      %add3A_818 = arith.addf %add3A_817, %scan3A_813#4 : vector<16xf32>
      %add3A_819 = arith.addf %add3A_818, %scan3A_813#5 : vector<16xf32>
      %add3A_820 = arith.addf %add3A_819, %scan3A_813#6 : vector<16xf32>
      %add3A_821 = arith.addf %add3A_820, %scan3A_813#7 : vector<16xf32>
      %add3A_822 = arith.addf %scan3A_728, %add3A_821 : vector<16xf32>
      scf.yield %add3A_822 : vector<16xf32>
    }
    %scan3A_380 = arith.constant 64 : i32
    %add3A_381 = arith.constant 0 : i32
    %add3A_382 = arith.addi %mul3A_2, %add3A_381 : i32
    %rem3A = arith.constant 64 : i32
    %rem3A_383 = arith.constant 2 : i32
    %rem3A_384 = arith.remsi %rem3A, %rem3A_383 : i32
    %dma_wait3A = arith.constant 0 : i32
    %dma_wait3A_385 = tpu.memref_slice %arg8[%dma_wait3A] : memref<100000xf32, #tpu.memory_space<vmem>> -> memref<50000xf32, #tpu.memory_space<vmem>>
    %dma_wait3A_386 = arith.constant 0 : i32
    %dma_wait3A_387 = tpu.memref_slice %arg2[%add3A_382, %dma_wait3A_386] : memref<1024x100000xf32, #tpu.memory_space<hbm>> -> memref<1x100000xf32, #tpu.memory_space<hbm>>
    %dma_wait3A_388 = tpu.memref_squeeze %dma_wait3A_387 : memref<1x100000xf32, #tpu.memory_space<hbm>> -> memref<100000xf32, #tpu.memory_space<hbm>>
    %dma_wait3A_389 = arith.constant 0 : i32
    %dma_wait3A_390 = tpu.memref_slice %dma_wait3A_388[%dma_wait3A_389] : memref<100000xf32, #tpu.memory_space<hbm>> -> memref<50000xf32, #tpu.memory_space<hbm>>
    %dma_wait3A_391 = tpu.memref_slice %arg10[%rem3A_384] : memref<2x!tpu.dma_semaphore, #tpu.memory_space<semaphore_mem>> -> memref<1x!tpu.dma_semaphore, #tpu.memory_space<semaphore_mem>>
    %dma_wait3A_392 = tpu.memref_squeeze %dma_wait3A_391 : memref<1x!tpu.dma_semaphore, #tpu.memory_space<semaphore_mem>> -> memref<!tpu.dma_semaphore, #tpu.memory_space<semaphore_mem>>
    %dma_wait3A_393 = arith.constant 0 : i32
    %dma_wait3A_394 = tpu.memref_slice %arg8[%dma_wait3A_393] : memref<100000xf32, #tpu.memory_space<vmem>> -> memref<50000xf32, #tpu.memory_space<vmem>>
    %dma_wait3A_395 = arith.constant 0 : i32
    %dma_wait3A_396 = tpu.memref_slice %arg2[%add3A_382, %dma_wait3A_395] : memref<1024x100000xf32, #tpu.memory_space<hbm>> -> memref<1x100000xf32, #tpu.memory_space<hbm>>
    %dma_wait3A_397 = tpu.memref_squeeze %dma_wait3A_396 : memref<1x100000xf32, #tpu.memory_space<hbm>> -> memref<100000xf32, #tpu.memory_space<hbm>>
    %dma_wait3A_398 = arith.constant 0 : i32
    %dma_wait3A_399 = tpu.memref_slice %dma_wait3A_397[%dma_wait3A_398] : memref<100000xf32, #tpu.memory_space<hbm>> -> memref<50000xf32, #tpu.memory_space<hbm>>
    tpu.wait_dma2 semaphore(%dma_wait3A_392 : memref<!tpu.dma_semaphore, #tpu.memory_space<semaphore_mem>>) src(%dma_wait3A_399 : memref<50000xf32, #tpu.memory_space<hbm>>) dst(%dma_wait3A_394 : memref<50000xf32, #tpu.memory_space<vmem>>)
    %swap3A = arith.constant 0 : index
    %swap3A_400 = tpu.vector_load %arg8[%swap3A] {strides = array<i32>} : memref<100000xf32, #tpu.memory_space<vmem>>, vector<16xf32>,
    %swap3A_401 = vector.shape_cast %swap3A_400 : vector<16xf32> to vector<16xf32>
    %swap3A_402 = vector.shape_cast %scan3A_379 : vector<16xf32> to vector<16xf32>
    tpu.vector_store %arg8[%swap3A], %swap3A_402 {strides = array<i32>} : memref<100000xf32, #tpu.memory_space<vmem>>, vector<16xf32>,
    %mul3A_403 = arith.constant 16 : i32
    %mul3A_404 = arith.muli %add3A, %mul3A_403 : i32
    "tpu.region"() ({
      %run_scoped3A = tpu.sem_alloc : memref<!tpu.dma_semaphore, #tpu.memory_space<semaphore_mem>>
      %dma_start3A_727 = arith.constant 0 : i32
      %dma_start3A_728 = tpu.memref_slice %arg8[%dma_start3A_727] : memref<100000xf32, #tpu.memory_space<vmem>> -> memref<16xf32, #tpu.memory_space<vmem>>
      %dma_start3A_729 = tpu.memref_slice %arg4[%mul3A_404] : memref<512xf32, #tpu.memory_space<hbm>> -> memref<16xf32, #tpu.memory_space<hbm>>
      %dma_start3A_730 = tpu.memref_slice %arg4[%mul3A_404] : memref<512xf32, #tpu.memory_space<hbm>> -> memref<16xf32, #tpu.memory_space<hbm>>
      %dma_start3A_731 = arith.constant 0 : i32
      %dma_start3A_732 = tpu.memref_slice %arg8[%dma_start3A_731] : memref<100000xf32, #tpu.memory_space<vmem>> -> memref<16xf32, #tpu.memory_space<vmem>>
      tpu.enqueue_dma source(%dma_start3A_732 : memref<16xf32, #tpu.memory_space<vmem>>) target(%dma_start3A_730 : memref<16xf32, #tpu.memory_space<hbm>>) target_semaphore(%run_scoped3A : memref<!tpu.dma_semaphore, #tpu.memory_space<semaphore_mem>>)
      %dma_wait3A_733 = arith.constant 0 : i32
      %dma_wait3A_734 = tpu.memref_slice %arg8[%dma_wait3A_733] : memref<100000xf32, #tpu.memory_space<vmem>> -> memref<16xf32, #tpu.memory_space<vmem>>
      %dma_wait3A_735 = tpu.memref_slice %arg4[%mul3A_404] : memref<512xf32, #tpu.memory_space<hbm>> -> memref<16xf32, #tpu.memory_space<hbm>>
      %dma_wait3A_736 = tpu.memref_slice %arg4[%mul3A_404] : memref<512xf32, #tpu.memory_space<hbm>> -> memref<16xf32, #tpu.memory_space<hbm>>
      %dma_wait3A_737 = arith.constant 0 : i32
      %dma_wait3A_738 = tpu.memref_slice %arg8[%dma_wait3A_737] : memref<100000xf32, #tpu.memory_space<vmem>> -> memref<16xf32, #tpu.memory_space<vmem>>
      tpu.wait_dma2 semaphore(%run_scoped3A : memref<!tpu.dma_semaphore, #tpu.memory_space<semaphore_mem>>) src(%dma_wait3A_738 : memref<16xf32, #tpu.memory_space<vmem>>) dst(%dma_wait3A_736 : memref<16xf32, #tpu.memory_space<hbm>>)
      tpu.yield
    }) : () -> ()
    %dma_wait3A_405 = arith.constant 0 : i32
    %dma_wait3A_406 = arith.constant 0 : i32
    %dma_wait3A_407 = tpu.memref_slice %arg7[%dma_wait3A_406] : memref<768xf32, #tpu.memory_space<vmem>> -> memref<20xf32, #tpu.memory_space<vmem>>
    %dma_wait3A_408 = arith.constant 0 : i32
    %dma_wait3A_409 = tpu.memref_slice %arg6[%dma_wait3A_408] : memref<768xi32, #tpu.memory_space<vmem>> -> memref<20xi32, #tpu.memory_space<vmem>>
    %dma_wait3A_410 = arith.constant 0 : i32
    %dma_wait3A_411 = tpu.memref_slice %arg2[%dma_wait3A_405, %dma_wait3A_410] : memref<1024x100000xf32, #tpu.memory_space<hbm>> -> memref<1x100000xf32, #tpu.memory_space<hbm>>
    %dma_wait3A_412 = tpu.memref_squeeze %dma_wait3A_411 : memref<1x100000xf32, #tpu.memory_space<hbm>> -> memref<100000xf32, #tpu.memory_space<hbm>>
    %dma_wait3A_413 = arith.constant 0 : i32
    %dma_wait3A_414 = tpu.memref_slice %dma_wait3A_412[%dma_wait3A_413] : memref<100000xf32, #tpu.memory_space<hbm>> -> memref<100000xf32, #tpu.memory_space<hbm>>
    tpu.wait_indirect_dma semaphore(%arg9 : memref<!tpu.dma_semaphore, #tpu.memory_space<semaphore_mem>>) src(%dma_wait3A_414 : memref<100000xf32, #tpu.memory_space<hbm>>) dst(%dma_wait3A_407 : memref<20xf32, #tpu.memory_space<vmem>>)
    %dma_wait3A_415 = arith.constant 0 : i32
    %dma_wait3A_416 = arith.constant 0 : i32
    %dma_wait3A_417 = tpu.memref_slice %arg7[%dma_wait3A_416] : memref<768xf32, #tpu.memory_space<vmem>> -> memref<20xf32, #tpu.memory_space<vmem>>
    %dma_wait3A_418 = arith.constant 0 : i32
    %dma_wait3A_419 = tpu.memref_slice %arg6[%dma_wait3A_418] : memref<768xi32, #tpu.memory_space<vmem>> -> memref<20xi32, #tpu.memory_space<vmem>>
    %dma_wait3A_420 = arith.constant 0 : i32
    %dma_wait3A_421 = tpu.memref_slice %arg2[%dma_wait3A_415, %dma_wait3A_420] : memref<1024x100000xf32, #tpu.memory_space<hbm>> -> memref<1x100000xf32, #tpu.memory_space<hbm>>
    %dma_wait3A_422 = tpu.memref_squeeze %dma_wait3A_421 : memref<1x100000xf32, #tpu.memory_space<hbm>> -> memref<100000xf32, #tpu.memory_space<hbm>>
    %dma_wait3A_423 = arith.constant 0 : i32
    %dma_wait3A_424 = tpu.memref_slice %dma_wait3A_422[%dma_wait3A_423] : memref<100000xf32, #tpu.memory_space<hbm>> -> memref<100000xf32, #tpu.memory_space<hbm>>
    tpu.wait_indirect_dma semaphore(%arg9 : memref<!tpu.dma_semaphore, #tpu.memory_space<semaphore_mem>>) src(%dma_wait3A_424 : memref<100000xf32, #tpu.memory_space<hbm>>) dst(%dma_wait3A_417 : memref<20xf32, #tpu.memory_space<vmem>>)
    %dma_wait3A_425 = arith.constant 0 : i32
    %dma_wait3A_426 = arith.constant 0 : i32
    %dma_wait3A_427 = tpu.memref_slice %arg7[%dma_wait3A_426] : memref<768xf32, #tpu.memory_space<vmem>> -> memref<20xf32, #tpu.memory_space<vmem>>
    %dma_wait3A_428 = arith.constant 0 : i32
    %dma_wait3A_429 = tpu.memref_slice %arg6[%dma_wait3A_428] : memref<768xi32, #tpu.memory_space<vmem>> -> memref<20xi32, #tpu.memory_space<vmem>>
    %dma_wait3A_430 = arith.constant 0 : i32
    %dma_wait3A_431 = tpu.memref_slice %arg2[%dma_wait3A_425, %dma_wait3A_430] : memref<1024x100000xf32, #tpu.memory_space<hbm>> -> memref<1x100000xf32, #tpu.memory_space<hbm>>
    %dma_wait3A_432 = tpu.memref_squeeze %dma_wait3A_431 : memref<1x100000xf32, #tpu.memory_space<hbm>> -> memref<100000xf32, #tpu.memory_space<hbm>>
    %dma_wait3A_433 = arith.constant 0 : i32
    %dma_wait3A_434 = tpu.memref_slice %dma_wait3A_432[%dma_wait3A_433] : memref<100000xf32, #tpu.memory_space<hbm>> -> memref<100000xf32, #tpu.memory_space<hbm>>
    tpu.wait_indirect_dma semaphore(%arg9 : memref<!tpu.dma_semaphore, #tpu.memory_space<semaphore_mem>>) src(%dma_wait3A_434 : memref<100000xf32, #tpu.memory_space<hbm>>) dst(%dma_wait3A_427 : memref<20xf32, #tpu.memory_space<vmem>>)
    %dma_wait3A_435 = arith.constant 0 : i32
    %dma_wait3A_436 = arith.constant 0 : i32
    %dma_wait3A_437 = tpu.memref_slice %arg7[%dma_wait3A_436] : memref<768xf32, #tpu.memory_space<vmem>> -> memref<20xf32, #tpu.memory_space<vmem>>
    %dma_wait3A_438 = arith.constant 0 : i32
    %dma_wait3A_439 = tpu.memref_slice %arg6[%dma_wait3A_438] : memref<768xi32, #tpu.memory_space<vmem>> -> memref<20xi32, #tpu.memory_space<vmem>>
    %dma_wait3A_440 = arith.constant 0 : i32
    %dma_wait3A_441 = tpu.memref_slice %arg2[%dma_wait3A_435, %dma_wait3A_440] : memref<1024x100000xf32, #tpu.memory_space<hbm>> -> memref<1x100000xf32, #tpu.memory_space<hbm>>
    %dma_wait3A_442 = tpu.memref_squeeze %dma_wait3A_441 : memref<1x100000xf32, #tpu.memory_space<hbm>> -> memref<100000xf32, #tpu.memory_space<hbm>>
    %dma_wait3A_443 = arith.constant 0 : i32
    %dma_wait3A_444 = tpu.memref_slice %dma_wait3A_442[%dma_wait3A_443] : memref<100000xf32, #tpu.memory_space<hbm>> -> memref<100000xf32, #tpu.memory_space<hbm>>
    tpu.wait_indirect_dma semaphore(%arg9 : memref<!tpu.dma_semaphore, #tpu.memory_space<semaphore_mem>>) src(%dma_wait3A_444 : memref<100000xf32, #tpu.memory_space<hbm>>) dst(%dma_wait3A_437 : memref<20xf32, #tpu.memory_space<vmem>>)
    %dma_wait3A_445 = arith.constant 0 : i32
    %dma_wait3A_446 = arith.constant 0 : i32
    %dma_wait3A_447 = tpu.memref_slice %arg7[%dma_wait3A_446] : memref<768xf32, #tpu.memory_space<vmem>> -> memref<20xf32, #tpu.memory_space<vmem>>
    %dma_wait3A_448 = arith.constant 0 : i32
    %dma_wait3A_449 = tpu.memref_slice %arg6[%dma_wait3A_448] : memref<768xi32, #tpu.memory_space<vmem>> -> memref<20xi32, #tpu.memory_space<vmem>>
    %dma_wait3A_450 = arith.constant 0 : i32
    %dma_wait3A_451 = tpu.memref_slice %arg2[%dma_wait3A_445, %dma_wait3A_450] : memref<1024x100000xf32, #tpu.memory_space<hbm>> -> memref<1x100000xf32, #tpu.memory_space<hbm>>
    %dma_wait3A_452 = tpu.memref_squeeze %dma_wait3A_451 : memref<1x100000xf32, #tpu.memory_space<hbm>> -> memref<100000xf32, #tpu.memory_space<hbm>>
    %dma_wait3A_453 = arith.constant 0 : i32
    %dma_wait3A_454 = tpu.memref_slice %dma_wait3A_452[%dma_wait3A_453] : memref<100000xf32, #tpu.memory_space<hbm>> -> memref<100000xf32, #tpu.memory_space<hbm>>
    tpu.wait_indirect_dma semaphore(%arg9 : memref<!tpu.dma_semaphore, #tpu.memory_space<semaphore_mem>>) src(%dma_wait3A_454 : memref<100000xf32, #tpu.memory_space<hbm>>) dst(%dma_wait3A_447 : memref<20xf32, #tpu.memory_space<vmem>>)
    %dma_wait3A_455 = arith.constant 0 : i32
    %dma_wait3A_456 = arith.constant 0 : i32
    %dma_wait3A_457 = tpu.memref_slice %arg7[%dma_wait3A_456] : memref<768xf32, #tpu.memory_space<vmem>> -> memref<20xf32, #tpu.memory_space<vmem>>
    %dma_wait3A_458 = arith.constant 0 : i32
    %dma_wait3A_459 = tpu.memref_slice %arg6[%dma_wait3A_458] : memref<768xi32, #tpu.memory_space<vmem>> -> memref<20xi32, #tpu.memory_space<vmem>>
    %dma_wait3A_460 = arith.constant 0 : i32
    %dma_wait3A_461 = tpu.memref_slice %arg2[%dma_wait3A_455, %dma_wait3A_460] : memref<1024x100000xf32, #tpu.memory_space<hbm>> -> memref<1x100000xf32, #tpu.memory_space<hbm>>
    %dma_wait3A_462 = tpu.memref_squeeze %dma_wait3A_461 : memref<1x100000xf32, #tpu.memory_space<hbm>> -> memref<100000xf32, #tpu.memory_space<hbm>>
    %dma_wait3A_463 = arith.constant 0 : i32
    %dma_wait3A_464 = tpu.memref_slice %dma_wait3A_462[%dma_wait3A_463] : memref<100000xf32, #tpu.memory_space<hbm>> -> memref<100000xf32, #tpu.memory_space<hbm>>
    tpu.wait_indirect_dma semaphore(%arg9 : memref<!tpu.dma_semaphore, #tpu.memory_space<semaphore_mem>>) src(%dma_wait3A_464 : memref<100000xf32, #tpu.memory_space<hbm>>) dst(%dma_wait3A_457 : memref<20xf32, #tpu.memory_space<vmem>>)
    %dma_wait3A_465 = arith.constant 0 : i32
    %dma_wait3A_466 = arith.constant 0 : i32
    %dma_wait3A_467 = tpu.memref_slice %arg7[%dma_wait3A_466] : memref<768xf32, #tpu.memory_space<vmem>> -> memref<20xf32, #tpu.memory_space<vmem>>
    %dma_wait3A_468 = arith.constant 0 : i32
    %dma_wait3A_469 = tpu.memref_slice %arg6[%dma_wait3A_468] : memref<768xi32, #tpu.memory_space<vmem>> -> memref<20xi32, #tpu.memory_space<vmem>>
    %dma_wait3A_470 = arith.constant 0 : i32
    %dma_wait3A_471 = tpu.memref_slice %arg2[%dma_wait3A_465, %dma_wait3A_470] : memref<1024x100000xf32, #tpu.memory_space<hbm>> -> memref<1x100000xf32, #tpu.memory_space<hbm>>
    %dma_wait3A_472 = tpu.memref_squeeze %dma_wait3A_471 : memref<1x100000xf32, #tpu.memory_space<hbm>> -> memref<100000xf32, #tpu.memory_space<hbm>>
    %dma_wait3A_473 = arith.constant 0 : i32
    %dma_wait3A_474 = tpu.memref_slice %dma_wait3A_472[%dma_wait3A_473] : memref<100000xf32, #tpu.memory_space<hbm>> -> memref<100000xf32, #tpu.memory_space<hbm>>
    tpu.wait_indirect_dma semaphore(%arg9 : memref<!tpu.dma_semaphore, #tpu.memory_space<semaphore_mem>>) src(%dma_wait3A_474 : memref<100000xf32, #tpu.memory_space<hbm>>) dst(%dma_wait3A_467 : memref<20xf32, #tpu.memory_space<vmem>>)
    %dma_wait3A_475 = arith.constant 0 : i32
    %dma_wait3A_476 = arith.constant 0 : i32
    %dma_wait3A_477 = tpu.memref_slice %arg7[%dma_wait3A_476] : memref<768xf32, #tpu.memory_space<vmem>> -> memref<20xf32, #tpu.memory_space<vmem>>
    %dma_wait3A_478 = arith.constant 0 : i32
    %dma_wait3A_479 = tpu.memref_slice %arg6[%dma_wait3A_478] : memref<768xi32, #tpu.memory_space<vmem>> -> memref<20xi32, #tpu.memory_space<vmem>>
    %dma_wait3A_480 = arith.constant 0 : i32
    %dma_wait3A_481 = tpu.memref_slice %arg2[%dma_wait3A_475, %dma_wait3A_480] : memref<1024x100000xf32, #tpu.memory_space<hbm>> -> memref<1x100000xf32, #tpu.memory_space<hbm>>
    %dma_wait3A_482 = tpu.memref_squeeze %dma_wait3A_481 : memref<1x100000xf32, #tpu.memory_space<hbm>> -> memref<100000xf32, #tpu.memory_space<hbm>>
    %dma_wait3A_483 = arith.constant 0 : i32
    %dma_wait3A_484 = tpu.memref_slice %dma_wait3A_482[%dma_wait3A_483] : memref<100000xf32, #tpu.memory_space<hbm>> -> memref<100000xf32, #tpu.memory_space<hbm>>
    tpu.wait_indirect_dma semaphore(%arg9 : memref<!tpu.dma_semaphore, #tpu.memory_space<semaphore_mem>>) src(%dma_wait3A_484 : memref<100000xf32, #tpu.memory_space<hbm>>) dst(%dma_wait3A_477 : memref<20xf32, #tpu.memory_space<vmem>>)
    %dma_wait3A_485 = arith.constant 0 : i32
    %dma_wait3A_486 = arith.constant 0 : i32
    %dma_wait3A_487 = tpu.memref_slice %arg7[%dma_wait3A_486] : memref<768xf32, #tpu.memory_space<vmem>> -> memref<20xf32, #tpu.memory_space<vmem>>
    %dma_wait3A_488 = arith.constant 0 : i32
    %dma_wait3A_489 = tpu.memref_slice %arg6[%dma_wait3A_488] : memref<768xi32, #tpu.memory_space<vmem>> -> memref<20xi32, #tpu.memory_space<vmem>>
    %dma_wait3A_490 = arith.constant 0 : i32
    %dma_wait3A_491 = tpu.memref_slice %arg2[%dma_wait3A_485, %dma_wait3A_490] : memref<1024x100000xf32, #tpu.memory_space<hbm>> -> memref<1x100000xf32, #tpu.memory_space<hbm>>
    %dma_wait3A_492 = tpu.memref_squeeze %dma_wait3A_491 : memref<1x100000xf32, #tpu.memory_space<hbm>> -> memref<100000xf32, #tpu.memory_space<hbm>>
    %dma_wait3A_493 = arith.constant 0 : i32
    %dma_wait3A_494 = tpu.memref_slice %dma_wait3A_492[%dma_wait3A_493] : memref<100000xf32, #tpu.memory_space<hbm>> -> memref<100000xf32, #tpu.memory_space<hbm>>
    tpu.wait_indirect_dma semaphore(%arg9 : memref<!tpu.dma_semaphore, #tpu.memory_space<semaphore_mem>>) src(%dma_wait3A_494 : memref<100000xf32, #tpu.memory_space<hbm>>) dst(%dma_wait3A_487 : memref<20xf32, #tpu.memory_space<vmem>>)
    %dma_wait3A_495 = arith.constant 0 : i32
    %dma_wait3A_496 = arith.constant 0 : i32
    %dma_wait3A_497 = tpu.memref_slice %arg7[%dma_wait3A_496] : memref<768xf32, #tpu.memory_space<vmem>> -> memref<20xf32, #tpu.memory_space<vmem>>
    %dma_wait3A_498 = arith.constant 0 : i32
    %dma_wait3A_499 = tpu.memref_slice %arg6[%dma_wait3A_498] : memref<768xi32, #tpu.memory_space<vmem>> -> memref<20xi32, #tpu.memory_space<vmem>>
    %dma_wait3A_500 = arith.constant 0 : i32
    %dma_wait3A_501 = tpu.memref_slice %arg2[%dma_wait3A_495, %dma_wait3A_500] : memref<1024x100000xf32, #tpu.memory_space<hbm>> -> memref<1x100000xf32, #tpu.memory_space<hbm>>
    %dma_wait3A_502 = tpu.memref_squeeze %dma_wait3A_501 : memref<1x100000xf32, #tpu.memory_space<hbm>> -> memref<100000xf32, #tpu.memory_space<hbm>>
    %dma_wait3A_503 = arith.constant 0 : i32
    %dma_wait3A_504 = tpu.memref_slice %dma_wait3A_502[%dma_wait3A_503] : memref<100000xf32, #tpu.memory_space<hbm>> -> memref<100000xf32, #tpu.memory_space<hbm>>
    tpu.wait_indirect_dma semaphore(%arg9 : memref<!tpu.dma_semaphore, #tpu.memory_space<semaphore_mem>>) src(%dma_wait3A_504 : memref<100000xf32, #tpu.memory_space<hbm>>) dst(%dma_wait3A_497 : memref<20xf32, #tpu.memory_space<vmem>>)
    %dma_wait3A_505 = arith.constant 0 : i32
    %dma_wait3A_506 = arith.constant 0 : i32
    %dma_wait3A_507 = tpu.memref_slice %arg7[%dma_wait3A_506] : memref<768xf32, #tpu.memory_space<vmem>> -> memref<20xf32, #tpu.memory_space<vmem>>
    %dma_wait3A_508 = arith.constant 0 : i32
    %dma_wait3A_509 = tpu.memref_slice %arg6[%dma_wait3A_508] : memref<768xi32, #tpu.memory_space<vmem>> -> memref<20xi32, #tpu.memory_space<vmem>>
    %dma_wait3A_510 = arith.constant 0 : i32
    %dma_wait3A_511 = tpu.memref_slice %arg2[%dma_wait3A_505, %dma_wait3A_510] : memref<1024x100000xf32, #tpu.memory_space<hbm>> -> memref<1x100000xf32, #tpu.memory_space<hbm>>
    %dma_wait3A_512 = tpu.memref_squeeze %dma_wait3A_511 : memref<1x100000xf32, #tpu.memory_space<hbm>> -> memref<100000xf32, #tpu.memory_space<hbm>>
    %dma_wait3A_513 = arith.constant 0 : i32
    %dma_wait3A_514 = tpu.memref_slice %dma_wait3A_512[%dma_wait3A_513] : memref<100000xf32, #tpu.memory_space<hbm>> -> memref<100000xf32, #tpu.memory_space<hbm>>
    tpu.wait_indirect_dma semaphore(%arg9 : memref<!tpu.dma_semaphore, #tpu.memory_space<semaphore_mem>>) src(%dma_wait3A_514 : memref<100000xf32, #tpu.memory_space<hbm>>) dst(%dma_wait3A_507 : memref<20xf32, #tpu.memory_space<vmem>>)
    %dma_wait3A_515 = arith.constant 0 : i32
    %dma_wait3A_516 = arith.constant 0 : i32
    %dma_wait3A_517 = tpu.memref_slice %arg7[%dma_wait3A_516] : memref<768xf32, #tpu.memory_space<vmem>> -> memref<20xf32, #tpu.memory_space<vmem>>
    %dma_wait3A_518 = arith.constant 0 : i32
    %dma_wait3A_519 = tpu.memref_slice %arg6[%dma_wait3A_518] : memref<768xi32, #tpu.memory_space<vmem>> -> memref<20xi32, #tpu.memory_space<vmem>>
    %dma_wait3A_520 = arith.constant 0 : i32
    %dma_wait3A_521 = tpu.memref_slice %arg2[%dma_wait3A_515, %dma_wait3A_520] : memref<1024x100000xf32, #tpu.memory_space<hbm>> -> memref<1x100000xf32, #tpu.memory_space<hbm>>
    %dma_wait3A_522 = tpu.memref_squeeze %dma_wait3A_521 : memref<1x100000xf32, #tpu.memory_space<hbm>> -> memref<100000xf32, #tpu.memory_space<hbm>>
    %dma_wait3A_523 = arith.constant 0 : i32
    %dma_wait3A_524 = tpu.memref_slice %dma_wait3A_522[%dma_wait3A_523] : memref<100000xf32, #tpu.memory_space<hbm>> -> memref<100000xf32, #tpu.memory_space<hbm>>
    tpu.wait_indirect_dma semaphore(%arg9 : memref<!tpu.dma_semaphore, #tpu.memory_space<semaphore_mem>>) src(%dma_wait3A_524 : memref<100000xf32, #tpu.memory_space<hbm>>) dst(%dma_wait3A_517 : memref<20xf32, #tpu.memory_space<vmem>>)
    %dma_wait3A_525 = arith.constant 0 : i32
    %dma_wait3A_526 = arith.constant 0 : i32
    %dma_wait3A_527 = tpu.memref_slice %arg7[%dma_wait3A_526] : memref<768xf32, #tpu.memory_space<vmem>> -> memref<20xf32, #tpu.memory_space<vmem>>
    %dma_wait3A_528 = arith.constant 0 : i32
    %dma_wait3A_529 = tpu.memref_slice %arg6[%dma_wait3A_528] : memref<768xi32, #tpu.memory_space<vmem>> -> memref<20xi32, #tpu.memory_space<vmem>>
    %dma_wait3A_530 = arith.constant 0 : i32
    %dma_wait3A_531 = tpu.memref_slice %arg2[%dma_wait3A_525, %dma_wait3A_530] : memref<1024x100000xf32, #tpu.memory_space<hbm>> -> memref<1x100000xf32, #tpu.memory_space<hbm>>
    %dma_wait3A_532 = tpu.memref_squeeze %dma_wait3A_531 : memref<1x100000xf32, #tpu.memory_space<hbm>> -> memref<100000xf32, #tpu.memory_space<hbm>>
    %dma_wait3A_533 = arith.constant 0 : i32
    %dma_wait3A_534 = tpu.memref_slice %dma_wait3A_532[%dma_wait3A_533] : memref<100000xf32, #tpu.memory_space<hbm>> -> memref<100000xf32, #tpu.memory_space<hbm>>
    tpu.wait_indirect_dma semaphore(%arg9 : memref<!tpu.dma_semaphore, #tpu.memory_space<semaphore_mem>>) src(%dma_wait3A_534 : memref<100000xf32, #tpu.memory_space<hbm>>) dst(%dma_wait3A_527 : memref<20xf32, #tpu.memory_space<vmem>>)
    %dma_wait3A_535 = arith.constant 0 : i32
    %dma_wait3A_536 = arith.constant 0 : i32
    %dma_wait3A_537 = tpu.memref_slice %arg7[%dma_wait3A_536] : memref<768xf32, #tpu.memory_space<vmem>> -> memref<20xf32, #tpu.memory_space<vmem>>
    %dma_wait3A_538 = arith.constant 0 : i32
    %dma_wait3A_539 = tpu.memref_slice %arg6[%dma_wait3A_538] : memref<768xi32, #tpu.memory_space<vmem>> -> memref<20xi32, #tpu.memory_space<vmem>>
    %dma_wait3A_540 = arith.constant 0 : i32
    %dma_wait3A_541 = tpu.memref_slice %arg2[%dma_wait3A_535, %dma_wait3A_540] : memref<1024x100000xf32, #tpu.memory_space<hbm>> -> memref<1x100000xf32, #tpu.memory_space<hbm>>
    %dma_wait3A_542 = tpu.memref_squeeze %dma_wait3A_541 : memref<1x100000xf32, #tpu.memory_space<hbm>> -> memref<100000xf32, #tpu.memory_space<hbm>>
    %dma_wait3A_543 = arith.constant 0 : i32
    %dma_wait3A_544 = tpu.memref_slice %dma_wait3A_542[%dma_wait3A_543] : memref<100000xf32, #tpu.memory_space<hbm>> -> memref<100000xf32, #tpu.memory_space<hbm>>
    tpu.wait_indirect_dma semaphore(%arg9 : memref<!tpu.dma_semaphore, #tpu.memory_space<semaphore_mem>>) src(%dma_wait3A_544 : memref<100000xf32, #tpu.memory_space<hbm>>) dst(%dma_wait3A_537 : memref<20xf32, #tpu.memory_space<vmem>>)
    %dma_wait3A_545 = arith.constant 0 : i32
    %dma_wait3A_546 = arith.constant 0 : i32
    %dma_wait3A_547 = tpu.memref_slice %arg7[%dma_wait3A_546] : memref<768xf32, #tpu.memory_space<vmem>> -> memref<20xf32, #tpu.memory_space<vmem>>
    %dma_wait3A_548 = arith.constant 0 : i32
    %dma_wait3A_549 = tpu.memref_slice %arg6[%dma_wait3A_548] : memref<768xi32, #tpu.memory_space<vmem>> -> memref<20xi32, #tpu.memory_space<vmem>>
    %dma_wait3A_550 = arith.constant 0 : i32
    %dma_wait3A_551 = tpu.memref_slice %arg2[%dma_wait3A_545, %dma_wait3A_550] : memref<1024x100000xf32, #tpu.memory_space<hbm>> -> memref<1x100000xf32, #tpu.memory_space<hbm>>
    %dma_wait3A_552 = tpu.memref_squeeze %dma_wait3A_551 : memref<1x100000xf32, #tpu.memory_space<hbm>> -> memref<100000xf32, #tpu.memory_space<hbm>>
    %dma_wait3A_553 = arith.constant 0 : i32
    %dma_wait3A_554 = tpu.memref_slice %dma_wait3A_552[%dma_wait3A_553] : memref<100000xf32, #tpu.memory_space<hbm>> -> memref<100000xf32, #tpu.memory_space<hbm>>
    tpu.wait_indirect_dma semaphore(%arg9 : memref<!tpu.dma_semaphore, #tpu.memory_space<semaphore_mem>>) src(%dma_wait3A_554 : memref<100000xf32, #tpu.memory_space<hbm>>) dst(%dma_wait3A_547 : memref<20xf32, #tpu.memory_space<vmem>>)
    %dma_wait3A_555 = arith.constant 0 : i32
    %dma_wait3A_556 = arith.constant 0 : i32
    %dma_wait3A_557 = tpu.memref_slice %arg7[%dma_wait3A_556] : memref<768xf32, #tpu.memory_space<vmem>> -> memref<20xf32, #tpu.memory_space<vmem>>
    %dma_wait3A_558 = arith.constant 0 : i32
    %dma_wait3A_559 = tpu.memref_slice %arg6[%dma_wait3A_558] : memref<768xi32, #tpu.memory_space<vmem>> -> memref<20xi32, #tpu.memory_space<vmem>>
    %dma_wait3A_560 = arith.constant 0 : i32
    %dma_wait3A_561 = tpu.memref_slice %arg2[%dma_wait3A_555, %dma_wait3A_560] : memref<1024x100000xf32, #tpu.memory_space<hbm>> -> memref<1x100000xf32, #tpu.memory_space<hbm>>
    %dma_wait3A_562 = tpu.memref_squeeze %dma_wait3A_561 : memref<1x100000xf32, #tpu.memory_space<hbm>> -> memref<100000xf32, #tpu.memory_space<hbm>>
    %dma_wait3A_563 = arith.constant 0 : i32
    %dma_wait3A_564 = tpu.memref_slice %dma_wait3A_562[%dma_wait3A_563] : memref<100000xf32, #tpu.memory_space<hbm>> -> memref<100000xf32, #tpu.memory_space<hbm>>
    tpu.wait_indirect_dma semaphore(%arg9 : memref<!tpu.dma_semaphore, #tpu.memory_space<semaphore_mem>>) src(%dma_wait3A_564 : memref<100000xf32, #tpu.memory_space<hbm>>) dst(%dma_wait3A_557 : memref<20xf32, #tpu.memory_space<vmem>>)
    %dma_wait3A_565 = arith.constant 0 : i32
    %dma_wait3A_566 = arith.constant 0 : i32
    %dma_wait3A_567 = tpu.memref_slice %arg7[%dma_wait3A_566] : memref<768xf32, #tpu.memory_space<vmem>> -> memref<20xf32, #tpu.memory_space<vmem>>
    %dma_wait3A_568 = arith.constant 0 : i32
    %dma_wait3A_569 = tpu.memref_slice %arg6[%dma_wait3A_568] : memref<768xi32, #tpu.memory_space<vmem>> -> memref<20xi32, #tpu.memory_space<vmem>>
    %dma_wait3A_570 = arith.constant 0 : i32
    %dma_wait3A_571 = tpu.memref_slice %arg2[%dma_wait3A_565, %dma_wait3A_570] : memref<1024x100000xf32, #tpu.memory_space<hbm>> -> memref<1x100000xf32, #tpu.memory_space<hbm>>
    %dma_wait3A_572 = tpu.memref_squeeze %dma_wait3A_571 : memref<1x100000xf32, #tpu.memory_space<hbm>> -> memref<100000xf32, #tpu.memory_space<hbm>>
    %dma_wait3A_573 = arith.constant 0 : i32
    %dma_wait3A_574 = tpu.memref_slice %dma_wait3A_572[%dma_wait3A_573] : memref<100000xf32, #tpu.memory_space<hbm>> -> memref<100000xf32, #tpu.memory_space<hbm>>
    tpu.wait_indirect_dma semaphore(%arg9 : memref<!tpu.dma_semaphore, #tpu.memory_space<semaphore_mem>>) src(%dma_wait3A_574 : memref<100000xf32, #tpu.memory_space<hbm>>) dst(%dma_wait3A_567 : memref<20xf32, #tpu.memory_space<vmem>>)
    %dma_wait3A_575 = arith.constant 0 : i32
    %dma_wait3A_576 = arith.constant 0 : i32
    %dma_wait3A_577 = tpu.memref_slice %arg7[%dma_wait3A_576] : memref<768xf32, #tpu.memory_space<vmem>> -> memref<20xf32, #tpu.memory_space<vmem>>
    %dma_wait3A_578 = arith.constant 0 : i32
    %dma_wait3A_579 = tpu.memref_slice %arg6[%dma_wait3A_578] : memref<768xi32, #tpu.memory_space<vmem>> -> memref<20xi32, #tpu.memory_space<vmem>>
    %dma_wait3A_580 = arith.constant 0 : i32
    %dma_wait3A_581 = tpu.memref_slice %arg2[%dma_wait3A_575, %dma_wait3A_580] : memref<1024x100000xf32, #tpu.memory_space<hbm>> -> memref<1x100000xf32, #tpu.memory_space<hbm>>
    %dma_wait3A_582 = tpu.memref_squeeze %dma_wait3A_581 : memref<1x100000xf32, #tpu.memory_space<hbm>> -> memref<100000xf32, #tpu.memory_space<hbm>>
    %dma_wait3A_583 = arith.constant 0 : i32
    %dma_wait3A_584 = tpu.memref_slice %dma_wait3A_582[%dma_wait3A_583] : memref<100000xf32, #tpu.memory_space<hbm>> -> memref<100000xf32, #tpu.memory_space<hbm>>
    tpu.wait_indirect_dma semaphore(%arg9 : memref<!tpu.dma_semaphore, #tpu.memory_space<semaphore_mem>>) src(%dma_wait3A_584 : memref<100000xf32, #tpu.memory_space<hbm>>) dst(%dma_wait3A_577 : memref<20xf32, #tpu.memory_space<vmem>>)
    %dma_wait3A_585 = arith.constant 0 : i32
    %dma_wait3A_586 = arith.constant 0 : i32
    %dma_wait3A_587 = tpu.memref_slice %arg7[%dma_wait3A_586] : memref<768xf32, #tpu.memory_space<vmem>> -> memref<20xf32, #tpu.memory_space<vmem>>
    %dma_wait3A_588 = arith.constant 0 : i32
    %dma_wait3A_589 = tpu.memref_slice %arg6[%dma_wait3A_588] : memref<768xi32, #tpu.memory_space<vmem>> -> memref<20xi32, #tpu.memory_space<vmem>>
    %dma_wait3A_590 = arith.constant 0 : i32
    %dma_wait3A_591 = tpu.memref_slice %arg2[%dma_wait3A_585, %dma_wait3A_590] : memref<1024x100000xf32, #tpu.memory_space<hbm>> -> memref<1x100000xf32, #tpu.memory_space<hbm>>
    %dma_wait3A_592 = tpu.memref_squeeze %dma_wait3A_591 : memref<1x100000xf32, #tpu.memory_space<hbm>> -> memref<100000xf32, #tpu.memory_space<hbm>>
    %dma_wait3A_593 = arith.constant 0 : i32
    %dma_wait3A_594 = tpu.memref_slice %dma_wait3A_592[%dma_wait3A_593] : memref<100000xf32, #tpu.memory_space<hbm>> -> memref<100000xf32, #tpu.memory_space<hbm>>
    tpu.wait_indirect_dma semaphore(%arg9 : memref<!tpu.dma_semaphore, #tpu.memory_space<semaphore_mem>>) src(%dma_wait3A_594 : memref<100000xf32, #tpu.memory_space<hbm>>) dst(%dma_wait3A_587 : memref<20xf32, #tpu.memory_space<vmem>>)
    %dma_wait3A_595 = arith.constant 0 : i32
    %dma_wait3A_596 = arith.constant 0 : i32
    %dma_wait3A_597 = tpu.memref_slice %arg7[%dma_wait3A_596] : memref<768xf32, #tpu.memory_space<vmem>> -> memref<20xf32, #tpu.memory_space<vmem>>
    %dma_wait3A_598 = arith.constant 0 : i32
    %dma_wait3A_599 = tpu.memref_slice %arg6[%dma_wait3A_598] : memref<768xi32, #tpu.memory_space<vmem>> -> memref<20xi32, #tpu.memory_space<vmem>>
    %dma_wait3A_600 = arith.constant 0 : i32
    %dma_wait3A_601 = tpu.memref_slice %arg2[%dma_wait3A_595, %dma_wait3A_600] : memref<1024x100000xf32, #tpu.memory_space<hbm>> -> memref<1x100000xf32, #tpu.memory_space<hbm>>
    %dma_wait3A_602 = tpu.memref_squeeze %dma_wait3A_601 : memref<1x100000xf32, #tpu.memory_space<hbm>> -> memref<100000xf32, #tpu.memory_space<hbm>>
    %dma_wait3A_603 = arith.constant 0 : i32
    %dma_wait3A_604 = tpu.memref_slice %dma_wait3A_602[%dma_wait3A_603] : memref<100000xf32, #tpu.memory_space<hbm>> -> memref<100000xf32, #tpu.memory_space<hbm>>
    tpu.wait_indirect_dma semaphore(%arg9 : memref<!tpu.dma_semaphore, #tpu.memory_space<semaphore_mem>>) src(%dma_wait3A_604 : memref<100000xf32, #tpu.memory_space<hbm>>) dst(%dma_wait3A_597 : memref<20xf32, #tpu.memory_space<vmem>>)
    %dma_wait3A_605 = arith.constant 0 : i32
    %dma_wait3A_606 = arith.constant 0 : i32
    %dma_wait3A_607 = tpu.memref_slice %arg7[%dma_wait3A_606] : memref<768xf32, #tpu.memory_space<vmem>> -> memref<20xf32, #tpu.memory_space<vmem>>
    %dma_wait3A_608 = arith.constant 0 : i32
    %dma_wait3A_609 = tpu.memref_slice %arg6[%dma_wait3A_608] : memref<768xi32, #tpu.memory_space<vmem>> -> memref<20xi32, #tpu.memory_space<vmem>>
    %dma_wait3A_610 = arith.constant 0 : i32
    %dma_wait3A_611 = tpu.memref_slice %arg2[%dma_wait3A_605, %dma_wait3A_610] : memref<1024x100000xf32, #tpu.memory_space<hbm>> -> memref<1x100000xf32, #tpu.memory_space<hbm>>
    %dma_wait3A_612 = tpu.memref_squeeze %dma_wait3A_611 : memref<1x100000xf32, #tpu.memory_space<hbm>> -> memref<100000xf32, #tpu.memory_space<hbm>>
    %dma_wait3A_613 = arith.constant 0 : i32
    %dma_wait3A_614 = tpu.memref_slice %dma_wait3A_612[%dma_wait3A_613] : memref<100000xf32, #tpu.memory_space<hbm>> -> memref<100000xf32, #tpu.memory_space<hbm>>
    tpu.wait_indirect_dma semaphore(%arg9 : memref<!tpu.dma_semaphore, #tpu.memory_space<semaphore_mem>>) src(%dma_wait3A_614 : memref<100000xf32, #tpu.memory_space<hbm>>) dst(%dma_wait3A_607 : memref<20xf32, #tpu.memory_space<vmem>>)
    %dma_wait3A_615 = arith.constant 0 : i32
    %dma_wait3A_616 = arith.constant 0 : i32
    %dma_wait3A_617 = tpu.memref_slice %arg7[%dma_wait3A_616] : memref<768xf32, #tpu.memory_space<vmem>> -> memref<20xf32, #tpu.memory_space<vmem>>
    %dma_wait3A_618 = arith.constant 0 : i32
    %dma_wait3A_619 = tpu.memref_slice %arg6[%dma_wait3A_618] : memref<768xi32, #tpu.memory_space<vmem>> -> memref<20xi32, #tpu.memory_space<vmem>>
    %dma_wait3A_620 = arith.constant 0 : i32
    %dma_wait3A_621 = tpu.memref_slice %arg2[%dma_wait3A_615, %dma_wait3A_620] : memref<1024x100000xf32, #tpu.memory_space<hbm>> -> memref<1x100000xf32, #tpu.memory_space<hbm>>
    %dma_wait3A_622 = tpu.memref_squeeze %dma_wait3A_621 : memref<1x100000xf32, #tpu.memory_space<hbm>> -> memref<100000xf32, #tpu.memory_space<hbm>>
    %dma_wait3A_623 = arith.constant 0 : i32
    %dma_wait3A_624 = tpu.memref_slice %dma_wait3A_622[%dma_wait3A_623] : memref<100000xf32, #tpu.memory_space<hbm>> -> memref<100000xf32, #tpu.memory_space<hbm>>
    tpu.wait_indirect_dma semaphore(%arg9 : memref<!tpu.dma_semaphore, #tpu.memory_space<semaphore_mem>>) src(%dma_wait3A_624 : memref<100000xf32, #tpu.memory_space<hbm>>) dst(%dma_wait3A_617 : memref<20xf32, #tpu.memory_space<vmem>>)
    %dma_wait3A_625 = arith.constant 0 : i32
    %dma_wait3A_626 = arith.constant 0 : i32
    %dma_wait3A_627 = tpu.memref_slice %arg7[%dma_wait3A_626] : memref<768xf32, #tpu.memory_space<vmem>> -> memref<20xf32, #tpu.memory_space<vmem>>
    %dma_wait3A_628 = arith.constant 0 : i32
    %dma_wait3A_629 = tpu.memref_slice %arg6[%dma_wait3A_628] : memref<768xi32, #tpu.memory_space<vmem>> -> memref<20xi32, #tpu.memory_space<vmem>>
    %dma_wait3A_630 = arith.constant 0 : i32
    %dma_wait3A_631 = tpu.memref_slice %arg2[%dma_wait3A_625, %dma_wait3A_630] : memref<1024x100000xf32, #tpu.memory_space<hbm>> -> memref<1x100000xf32, #tpu.memory_space<hbm>>
    %dma_wait3A_632 = tpu.memref_squeeze %dma_wait3A_631 : memref<1x100000xf32, #tpu.memory_space<hbm>> -> memref<100000xf32, #tpu.memory_space<hbm>>
    %dma_wait3A_633 = arith.constant 0 : i32
    %dma_wait3A_634 = tpu.memref_slice %dma_wait3A_632[%dma_wait3A_633] : memref<100000xf32, #tpu.memory_space<hbm>> -> memref<100000xf32, #tpu.memory_space<hbm>>
    tpu.wait_indirect_dma semaphore(%arg9 : memref<!tpu.dma_semaphore, #tpu.memory_space<semaphore_mem>>) src(%dma_wait3A_634 : memref<100000xf32, #tpu.memory_space<hbm>>) dst(%dma_wait3A_627 : memref<20xf32, #tpu.memory_space<vmem>>)
    %dma_wait3A_635 = arith.constant 0 : i32
    %dma_wait3A_636 = arith.constant 0 : i32
    %dma_wait3A_637 = tpu.memref_slice %arg7[%dma_wait3A_636] : memref<768xf32, #tpu.memory_space<vmem>> -> memref<20xf32, #tpu.memory_space<vmem>>
    %dma_wait3A_638 = arith.constant 0 : i32
    %dma_wait3A_639 = tpu.memref_slice %arg6[%dma_wait3A_638] : memref<768xi32, #tpu.memory_space<vmem>> -> memref<20xi32, #tpu.memory_space<vmem>>
    %dma_wait3A_640 = arith.constant 0 : i32
    %dma_wait3A_641 = tpu.memref_slice %arg2[%dma_wait3A_635, %dma_wait3A_640] : memref<1024x100000xf32, #tpu.memory_space<hbm>> -> memref<1x100000xf32, #tpu.memory_space<hbm>>
    %dma_wait3A_642 = tpu.memref_squeeze %dma_wait3A_641 : memref<1x100000xf32, #tpu.memory_space<hbm>> -> memref<100000xf32, #tpu.memory_space<hbm>>
    %dma_wait3A_643 = arith.constant 0 : i32
    %dma_wait3A_644 = tpu.memref_slice %dma_wait3A_642[%dma_wait3A_643] : memref<100000xf32, #tpu.memory_space<hbm>> -> memref<100000xf32, #tpu.memory_space<hbm>>
    tpu.wait_indirect_dma semaphore(%arg9 : memref<!tpu.dma_semaphore, #tpu.memory_space<semaphore_mem>>) src(%dma_wait3A_644 : memref<100000xf32, #tpu.memory_space<hbm>>) dst(%dma_wait3A_637 : memref<20xf32, #tpu.memory_space<vmem>>)
    %dma_wait3A_645 = arith.constant 0 : i32
    %dma_wait3A_646 = arith.constant 0 : i32
    %dma_wait3A_647 = tpu.memref_slice %arg7[%dma_wait3A_646] : memref<768xf32, #tpu.memory_space<vmem>> -> memref<20xf32, #tpu.memory_space<vmem>>
    %dma_wait3A_648 = arith.constant 0 : i32
    %dma_wait3A_649 = tpu.memref_slice %arg6[%dma_wait3A_648] : memref<768xi32, #tpu.memory_space<vmem>> -> memref<20xi32, #tpu.memory_space<vmem>>
    %dma_wait3A_650 = arith.constant 0 : i32
    %dma_wait3A_651 = tpu.memref_slice %arg2[%dma_wait3A_645, %dma_wait3A_650] : memref<1024x100000xf32, #tpu.memory_space<hbm>> -> memref<1x100000xf32, #tpu.memory_space<hbm>>
    %dma_wait3A_652 = tpu.memref_squeeze %dma_wait3A_651 : memref<1x100000xf32, #tpu.memory_space<hbm>> -> memref<100000xf32, #tpu.memory_space<hbm>>
    %dma_wait3A_653 = arith.constant 0 : i32
    %dma_wait3A_654 = tpu.memref_slice %dma_wait3A_652[%dma_wait3A_653] : memref<100000xf32, #tpu.memory_space<hbm>> -> memref<100000xf32, #tpu.memory_space<hbm>>
    tpu.wait_indirect_dma semaphore(%arg9 : memref<!tpu.dma_semaphore, #tpu.memory_space<semaphore_mem>>) src(%dma_wait3A_654 : memref<100000xf32, #tpu.memory_space<hbm>>) dst(%dma_wait3A_647 : memref<20xf32, #tpu.memory_space<vmem>>)
    %dma_wait3A_655 = arith.constant 0 : i32
    %dma_wait3A_656 = arith.constant 0 : i32
    %dma_wait3A_657 = tpu.memref_slice %arg7[%dma_wait3A_656] : memref<768xf32, #tpu.memory_space<vmem>> -> memref<20xf32, #tpu.memory_space<vmem>>
    %dma_wait3A_658 = arith.constant 0 : i32
    %dma_wait3A_659 = tpu.memref_slice %arg6[%dma_wait3A_658] : memref<768xi32, #tpu.memory_space<vmem>> -> memref<20xi32, #tpu.memory_space<vmem>>
    %dma_wait3A_660 = arith.constant 0 : i32
    %dma_wait3A_661 = tpu.memref_slice %arg2[%dma_wait3A_655, %dma_wait3A_660] : memref<1024x100000xf32, #tpu.memory_space<hbm>> -> memref<1x100000xf32, #tpu.memory_space<hbm>>
    %dma_wait3A_662 = tpu.memref_squeeze %dma_wait3A_661 : memref<1x100000xf32, #tpu.memory_space<hbm>> -> memref<100000xf32, #tpu.memory_space<hbm>>
    %dma_wait3A_663 = arith.constant 0 : i32
    %dma_wait3A_664 = tpu.memref_slice %dma_wait3A_662[%dma_wait3A_663] : memref<100000xf32, #tpu.memory_space<hbm>> -> memref<100000xf32, #tpu.memory_space<hbm>>
    tpu.wait_indirect_dma semaphore(%arg9 : memref<!tpu.dma_semaphore, #tpu.memory_space<semaphore_mem>>) src(%dma_wait3A_664 : memref<100000xf32, #tpu.memory_space<hbm>>) dst(%dma_wait3A_657 : memref<20xf32, #tpu.memory_space<vmem>>)
    %dma_wait3A_665 = arith.constant 0 : i32
    %dma_wait3A_666 = arith.constant 0 : i32
    %dma_wait3A_667 = tpu.memref_slice %arg7[%dma_wait3A_666] : memref<768xf32, #tpu.memory_space<vmem>> -> memref<20xf32, #tpu.memory_space<vmem>>
    %dma_wait3A_668 = arith.constant 0 : i32
    %dma_wait3A_669 = tpu.memref_slice %arg6[%dma_wait3A_668] : memref<768xi32, #tpu.memory_space<vmem>> -> memref<20xi32, #tpu.memory_space<vmem>>
    %dma_wait3A_670 = arith.constant 0 : i32
    %dma_wait3A_671 = tpu.memref_slice %arg2[%dma_wait3A_665, %dma_wait3A_670] : memref<1024x100000xf32, #tpu.memory_space<hbm>> -> memref<1x100000xf32, #tpu.memory_space<hbm>>
    %dma_wait3A_672 = tpu.memref_squeeze %dma_wait3A_671 : memref<1x100000xf32, #tpu.memory_space<hbm>> -> memref<100000xf32, #tpu.memory_space<hbm>>
    %dma_wait3A_673 = arith.constant 0 : i32
    %dma_wait3A_674 = tpu.memref_slice %dma_wait3A_672[%dma_wait3A_673] : memref<100000xf32, #tpu.memory_space<hbm>> -> memref<100000xf32, #tpu.memory_space<hbm>>
    tpu.wait_indirect_dma semaphore(%arg9 : memref<!tpu.dma_semaphore, #tpu.memory_space<semaphore_mem>>) src(%dma_wait3A_674 : memref<100000xf32, #tpu.memory_space<hbm>>) dst(%dma_wait3A_667 : memref<20xf32, #tpu.memory_space<vmem>>)
    %dma_wait3A_675 = arith.constant 0 : i32
    %dma_wait3A_676 = arith.constant 0 : i32
    %dma_wait3A_677 = tpu.memref_slice %arg7[%dma_wait3A_676] : memref<768xf32, #tpu.memory_space<vmem>> -> memref<20xf32, #tpu.memory_space<vmem>>
    %dma_wait3A_678 = arith.constant 0 : i32
    %dma_wait3A_679 = tpu.memref_slice %arg6[%dma_wait3A_678] : memref<768xi32, #tpu.memory_space<vmem>> -> memref<20xi32, #tpu.memory_space<vmem>>
    %dma_wait3A_680 = arith.constant 0 : i32
    %dma_wait3A_681 = tpu.memref_slice %arg2[%dma_wait3A_675, %dma_wait3A_680] : memref<1024x100000xf32, #tpu.memory_space<hbm>> -> memref<1x100000xf32, #tpu.memory_space<hbm>>
    %dma_wait3A_682 = tpu.memref_squeeze %dma_wait3A_681 : memref<1x100000xf32, #tpu.memory_space<hbm>> -> memref<100000xf32, #tpu.memory_space<hbm>>
    %dma_wait3A_683 = arith.constant 0 : i32
    %dma_wait3A_684 = tpu.memref_slice %dma_wait3A_682[%dma_wait3A_683] : memref<100000xf32, #tpu.memory_space<hbm>> -> memref<100000xf32, #tpu.memory_space<hbm>>
    tpu.wait_indirect_dma semaphore(%arg9 : memref<!tpu.dma_semaphore, #tpu.memory_space<semaphore_mem>>) src(%dma_wait3A_684 : memref<100000xf32, #tpu.memory_space<hbm>>) dst(%dma_wait3A_677 : memref<20xf32, #tpu.memory_space<vmem>>)
    %dma_wait3A_685 = arith.constant 0 : i32
    %dma_wait3A_686 = arith.constant 0 : i32
    %dma_wait3A_687 = tpu.memref_slice %arg7[%dma_wait3A_686] : memref<768xf32, #tpu.memory_space<vmem>> -> memref<20xf32, #tpu.memory_space<vmem>>
    %dma_wait3A_688 = arith.constant 0 : i32
    %dma_wait3A_689 = tpu.memref_slice %arg6[%dma_wait3A_688] : memref<768xi32, #tpu.memory_space<vmem>> -> memref<20xi32, #tpu.memory_space<vmem>>
    %dma_wait3A_690 = arith.constant 0 : i32
    %dma_wait3A_691 = tpu.memref_slice %arg2[%dma_wait3A_685, %dma_wait3A_690] : memref<1024x100000xf32, #tpu.memory_space<hbm>> -> memref<1x100000xf32, #tpu.memory_space<hbm>>
    %dma_wait3A_692 = tpu.memref_squeeze %dma_wait3A_691 : memref<1x100000xf32, #tpu.memory_space<hbm>> -> memref<100000xf32, #tpu.memory_space<hbm>>
    %dma_wait3A_693 = arith.constant 0 : i32
    %dma_wait3A_694 = tpu.memref_slice %dma_wait3A_692[%dma_wait3A_693] : memref<100000xf32, #tpu.memory_space<hbm>> -> memref<100000xf32, #tpu.memory_space<hbm>>
    tpu.wait_indirect_dma semaphore(%arg9 : memref<!tpu.dma_semaphore, #tpu.memory_space<semaphore_mem>>) src(%dma_wait3A_694 : memref<100000xf32, #tpu.memory_space<hbm>>) dst(%dma_wait3A_687 : memref<20xf32, #tpu.memory_space<vmem>>)
    %dma_wait3A_695 = arith.constant 0 : i32
    %dma_wait3A_696 = arith.constant 0 : i32
    %dma_wait3A_697 = tpu.memref_slice %arg7[%dma_wait3A_696] : memref<768xf32, #tpu.memory_space<vmem>> -> memref<20xf32, #tpu.memory_space<vmem>>
    %dma_wait3A_698 = arith.constant 0 : i32
    %dma_wait3A_699 = tpu.memref_slice %arg6[%dma_wait3A_698] : memref<768xi32, #tpu.memory_space<vmem>> -> memref<20xi32, #tpu.memory_space<vmem>>
    %dma_wait3A_700 = arith.constant 0 : i32
    %dma_wait3A_701 = tpu.memref_slice %arg2[%dma_wait3A_695, %dma_wait3A_700] : memref<1024x100000xf32, #tpu.memory_space<hbm>> -> memref<1x100000xf32, #tpu.memory_space<hbm>>
    %dma_wait3A_702 = tpu.memref_squeeze %dma_wait3A_701 : memref<1x100000xf32, #tpu.memory_space<hbm>> -> memref<100000xf32, #tpu.memory_space<hbm>>
    %dma_wait3A_703 = arith.constant 0 : i32
    %dma_wait3A_704 = tpu.memref_slice %dma_wait3A_702[%dma_wait3A_703] : memref<100000xf32, #tpu.memory_space<hbm>> -> memref<100000xf32, #tpu.memory_space<hbm>>
    tpu.wait_indirect_dma semaphore(%arg9 : memref<!tpu.dma_semaphore, #tpu.memory_space<semaphore_mem>>) src(%dma_wait3A_704 : memref<100000xf32, #tpu.memory_space<hbm>>) dst(%dma_wait3A_697 : memref<20xf32, #tpu.memory_space<vmem>>)
    %dma_wait3A_705 = arith.constant 0 : i32
    %dma_wait3A_706 = arith.constant 0 : i32
    %dma_wait3A_707 = tpu.memref_slice %arg7[%dma_wait3A_706] : memref<768xf32, #tpu.memory_space<vmem>> -> memref<20xf32, #tpu.memory_space<vmem>>
    %dma_wait3A_708 = arith.constant 0 : i32
    %dma_wait3A_709 = tpu.memref_slice %arg6[%dma_wait3A_708] : memref<768xi32, #tpu.memory_space<vmem>> -> memref<20xi32, #tpu.memory_space<vmem>>
    %dma_wait3A_710 = arith.constant 0 : i32
    %dma_wait3A_711 = tpu.memref_slice %arg2[%dma_wait3A_705, %dma_wait3A_710] : memref<1024x100000xf32, #tpu.memory_space<hbm>> -> memref<1x100000xf32, #tpu.memory_space<hbm>>
    %dma_wait3A_712 = tpu.memref_squeeze %dma_wait3A_711 : memref<1x100000xf32, #tpu.memory_space<hbm>> -> memref<100000xf32, #tpu.memory_space<hbm>>
    %dma_wait3A_713 = arith.constant 0 : i32
    %dma_wait3A_714 = tpu.memref_slice %dma_wait3A_712[%dma_wait3A_713] : memref<100000xf32, #tpu.memory_space<hbm>> -> memref<100000xf32, #tpu.memory_space<hbm>>
    tpu.wait_indirect_dma semaphore(%arg9 : memref<!tpu.dma_semaphore, #tpu.memory_space<semaphore_mem>>) src(%dma_wait3A_714 : memref<100000xf32, #tpu.memory_space<hbm>>) dst(%dma_wait3A_707 : memref<20xf32, #tpu.memory_space<vmem>>)
    %dma_wait3A_715 = arith.constant 0 : i32
    %dma_wait3A_716 = arith.constant 0 : i32
    %dma_wait3A_717 = tpu.memref_slice %arg7[%dma_wait3A_716] : memref<768xf32, #tpu.memory_space<vmem>> -> memref<20xf32, #tpu.memory_space<vmem>>
    %dma_wait3A_718 = arith.constant 0 : i32
    %dma_wait3A_719 = tpu.memref_slice %arg6[%dma_wait3A_718] : memref<768xi32, #tpu.memory_space<vmem>> -> memref<20xi32, #tpu.memory_space<vmem>>
    %dma_wait3A_720 = arith.constant 0 : i32
    %dma_wait3A_721 = tpu.memref_slice %arg2[%dma_wait3A_715, %dma_wait3A_720] : memref<1024x100000xf32, #tpu.memory_space<hbm>> -> memref<1x100000xf32, #tpu.memory_space<hbm>>
    %dma_wait3A_722 = tpu.memref_squeeze %dma_wait3A_721 : memref<1x100000xf32, #tpu.memory_space<hbm>> -> memref<100000xf32, #tpu.memory_space<hbm>>
    %dma_wait3A_723 = arith.constant 0 : i32
    %dma_wait3A_724 = tpu.memref_slice %dma_wait3A_722[%dma_wait3A_723] : memref<100000xf32, #tpu.memory_space<hbm>> -> memref<100000xf32, #tpu.memory_space<hbm>>
    tpu.wait_indirect_dma semaphore(%arg9 : memref<!tpu.dma_semaphore, #tpu.memory_space<semaphore_mem>>) src(%dma_wait3A_724 : memref<100000xf32, #tpu.memory_space<hbm>>) dst(%dma_wait3A_717 : memref<20xf32, #tpu.memory_space<vmem>>)
    %mul3A_725 = arith.constant 24 : i32
    %mul3A_726 = arith.muli %mul3A_2, %mul3A_725 : i32
    "tpu.region"() ({
      %run_scoped3A = tpu.sem_alloc : memref<!tpu.dma_semaphore, #tpu.memory_space<semaphore_mem>>
      %dma_start3A_727 = tpu.memref_slice %arg5[%mul3A_726] : memref<24576xf32, #tpu.memory_space<hbm>> -> memref<768xf32, #tpu.memory_space<hbm>>
      %dma_start3A_728 = tpu.memref_slice %arg5[%mul3A_726] : memref<24576xf32, #tpu.memory_space<hbm>> -> memref<768xf32, #tpu.memory_space<hbm>>
      tpu.enqueue_dma source(%arg7 : memref<768xf32, #tpu.memory_space<vmem>>) target(%dma_start3A_728 : memref<768xf32, #tpu.memory_space<hbm>>) target_semaphore(%run_scoped3A : memref<!tpu.dma_semaphore, #tpu.memory_space<semaphore_mem>>)
      %dma_wait3A_729 = tpu.memref_slice %arg5[%mul3A_726] : memref<24576xf32, #tpu.memory_space<hbm>> -> memref<768xf32, #tpu.memory_space<hbm>>
      %dma_wait3A_730 = tpu.memref_slice %arg5[%mul3A_726] : memref<24576xf32, #tpu.memory_space<hbm>> -> memref<768xf32, #tpu.memory_space<hbm>>
      tpu.wait_dma2 semaphore(%run_scoped3A : memref<!tpu.dma_semaphore, #tpu.memory_space<semaphore_mem>>) src(%arg7 : memref<768xf32, #tpu.memory_space<vmem>>) dst(%dma_wait3A_730 : memref<768xf32, #tpu.memory_space<hbm>>)
      tpu.yield
    }) : () -> ()
    return
  }
}

module attributes {stable_mosaic.version = 14 : i64} {
  func.func @body(%arg0: memref<1x512xf32, #tpu.memory_space<vmem>>, %arg1: memref<1024x20xf32, #tpu.memory_space<vmem>>, %arg2: memref<1024x20xi32, #tpu.memory_space<vmem>>, %arg3: memref<1x1xf32, #tpu.memory_space<smem>>) attributes {dimension_semantics = [], scalar_prefetch = 0 : i64, scratch_operands = 0 : i64, tpu.core_type = #tpu.core_type<tc>} {
    %get3A = arith.constant 0 : index
    %get3A_0 = arith.constant 0 : index
    %get3A_1 = vector.load %arg0[%get3A, %get3A_0] : memref<1x512xf32, #tpu.memory_space<vmem>>, vector<1x512xf32>
    %reduce_sum3A = vector.shape_cast %get3A_1 : vector<1x512xf32> to vector<1x1x512xf32>
    %reduce_sum3A_2 = arith.constant dense<0.000000e+00> : vector<1xf32>
    %reduce_sum3A_3 = vector.multi_reduction <add>, %reduce_sum3A, %reduce_sum3A_2 [1, 2] : vector<1x1x512xf32> to vector<1xf32>
    %reduce_sum3A_4 = vector.shape_cast %reduce_sum3A_3 : vector<1xf32> to vector<1x1x1xf32>
    %reduce_sum3A_5 = vector.extract %reduce_sum3A_4[0, 0, 0] : f32 from vector<1x1x1xf32>
    %get3A_6 = arith.constant 0 : index
    %get3A_7 = arith.constant 0 : index
    %get3A_8 = vector.load %arg2[%get3A_6, %get3A_7] : memref<1024x20xi32, #tpu.memory_space<vmem>>, vector<1024x20xi32>
    %iota3A = tpu.iota {dimensions = array<i32: 1>} : vector<1024x20xi32>
    %broadcast_in_dim3A = arith.constant false
    %broadcast_in_dim3A_9 = vector.broadcast %broadcast_in_dim3A : i1 to vector<1024x20xi1>
    %slice3A = vector.extract_strided_slice %get3A_8 {offsets = [0, 0], sizes = [1024, 1], strides = [1, 1]} : vector<1024x20xi32> to vector<1024x1xi32>
    %slice3A_10 = vector.extract_strided_slice %get3A_8 {offsets = [0, 0], sizes = [1024, 19], strides = [1, 1]} : vector<1024x20xi32> to vector<1024x19xi32>
    %concatenate3A = tpu.concatenate %slice3A, %slice3A_10 in 1 : vector<1024x1xi32>, vector<1024x19xi32> -> vector<1024x20xi32>
    %eq3A = arith.cmpi eq, %get3A_8, %concatenate3A : vector<1024x20xi32>
    %ge3A = arith.constant 1 : i32
    %ge3A_11 = vector.broadcast %ge3A : i32 to vector<1024x20xi32>
    %ge3A_12 = arith.cmpi sge, %iota3A, %ge3A_11 : vector<1024x20xi32>
    %and3A = arith.andi %eq3A, %ge3A_12 : vector<1024x20xi1>
    %or3A = arith.ori %broadcast_in_dim3A_9, %and3A : vector<1024x20xi1>
    %slice3A_13 = vector.extract_strided_slice %get3A_8 {offsets = [0, 0], sizes = [1024, 2], strides = [1, 1]} : vector<1024x20xi32> to vector<1024x2xi32>
    %slice3A_14 = vector.extract_strided_slice %get3A_8 {offsets = [0, 0], sizes = [1024, 18], strides = [1, 1]} : vector<1024x20xi32> to vector<1024x18xi32>
    %concatenate3A_15 = tpu.concatenate %slice3A_13, %slice3A_14 in 1 : vector<1024x2xi32>, vector<1024x18xi32> -> vector<1024x20xi32>
    %eq3A_16 = arith.cmpi eq, %get3A_8, %concatenate3A_15 : vector<1024x20xi32>
    %ge3A_17 = arith.constant 2 : i32
    %ge3A_18 = vector.broadcast %ge3A_17 : i32 to vector<1024x20xi32>
    %ge3A_19 = arith.cmpi sge, %iota3A, %ge3A_18 : vector<1024x20xi32>
    %and3A_20 = arith.andi %eq3A_16, %ge3A_19 : vector<1024x20xi1>
    %or3A_21 = arith.ori %or3A, %and3A_20 : vector<1024x20xi1>
    %slice3A_22 = vector.extract_strided_slice %get3A_8 {offsets = [0, 0], sizes = [1024, 3], strides = [1, 1]} : vector<1024x20xi32> to vector<1024x3xi32>
    %slice3A_23 = vector.extract_strided_slice %get3A_8 {offsets = [0, 0], sizes = [1024, 17], strides = [1, 1]} : vector<1024x20xi32> to vector<1024x17xi32>
    %concatenate3A_24 = tpu.concatenate %slice3A_22, %slice3A_23 in 1 : vector<1024x3xi32>, vector<1024x17xi32> -> vector<1024x20xi32>
    %eq3A_25 = arith.cmpi eq, %get3A_8, %concatenate3A_24 : vector<1024x20xi32>
    %ge3A_26 = arith.constant 3 : i32
    %ge3A_27 = vector.broadcast %ge3A_26 : i32 to vector<1024x20xi32>
    %ge3A_28 = arith.cmpi sge, %iota3A, %ge3A_27 : vector<1024x20xi32>
    %and3A_29 = arith.andi %eq3A_25, %ge3A_28 : vector<1024x20xi1>
    %or3A_30 = arith.ori %or3A_21, %and3A_29 : vector<1024x20xi1>
    %slice3A_31 = vector.extract_strided_slice %get3A_8 {offsets = [0, 0], sizes = [1024, 4], strides = [1, 1]} : vector<1024x20xi32> to vector<1024x4xi32>
    %slice3A_32 = vector.extract_strided_slice %get3A_8 {offsets = [0, 0], sizes = [1024, 16], strides = [1, 1]} : vector<1024x20xi32> to vector<1024x16xi32>
    %concatenate3A_33 = tpu.concatenate %slice3A_31, %slice3A_32 in 1 : vector<1024x4xi32>, vector<1024x16xi32> -> vector<1024x20xi32>
    %eq3A_34 = arith.cmpi eq, %get3A_8, %concatenate3A_33 : vector<1024x20xi32>
    %ge3A_35 = arith.constant 4 : i32
    %ge3A_36 = vector.broadcast %ge3A_35 : i32 to vector<1024x20xi32>
    %ge3A_37 = arith.cmpi sge, %iota3A, %ge3A_36 : vector<1024x20xi32>
    %and3A_38 = arith.andi %eq3A_34, %ge3A_37 : vector<1024x20xi1>
    %or3A_39 = arith.ori %or3A_30, %and3A_38 : vector<1024x20xi1>
    %slice3A_40 = vector.extract_strided_slice %get3A_8 {offsets = [0, 0], sizes = [1024, 5], strides = [1, 1]} : vector<1024x20xi32> to vector<1024x5xi32>
    %slice3A_41 = vector.extract_strided_slice %get3A_8 {offsets = [0, 0], sizes = [1024, 15], strides = [1, 1]} : vector<1024x20xi32> to vector<1024x15xi32>
    %concatenate3A_42 = tpu.concatenate %slice3A_40, %slice3A_41 in 1 : vector<1024x5xi32>, vector<1024x15xi32> -> vector<1024x20xi32>
    %eq3A_43 = arith.cmpi eq, %get3A_8, %concatenate3A_42 : vector<1024x20xi32>
    %ge3A_44 = arith.constant 5 : i32
    %ge3A_45 = vector.broadcast %ge3A_44 : i32 to vector<1024x20xi32>
    %ge3A_46 = arith.cmpi sge, %iota3A, %ge3A_45 : vector<1024x20xi32>
    %and3A_47 = arith.andi %eq3A_43, %ge3A_46 : vector<1024x20xi1>
    %or3A_48 = arith.ori %or3A_39, %and3A_47 : vector<1024x20xi1>
    %slice3A_49 = vector.extract_strided_slice %get3A_8 {offsets = [0, 0], sizes = [1024, 6], strides = [1, 1]} : vector<1024x20xi32> to vector<1024x6xi32>
    %slice3A_50 = vector.extract_strided_slice %get3A_8 {offsets = [0, 0], sizes = [1024, 14], strides = [1, 1]} : vector<1024x20xi32> to vector<1024x14xi32>
    %concatenate3A_51 = tpu.concatenate %slice3A_49, %slice3A_50 in 1 : vector<1024x6xi32>, vector<1024x14xi32> -> vector<1024x20xi32>
    %eq3A_52 = arith.cmpi eq, %get3A_8, %concatenate3A_51 : vector<1024x20xi32>
    %ge3A_53 = arith.constant 6 : i32
    %ge3A_54 = vector.broadcast %ge3A_53 : i32 to vector<1024x20xi32>
    %ge3A_55 = arith.cmpi sge, %iota3A, %ge3A_54 : vector<1024x20xi32>
    %and3A_56 = arith.andi %eq3A_52, %ge3A_55 : vector<1024x20xi1>
    %or3A_57 = arith.ori %or3A_48, %and3A_56 : vector<1024x20xi1>
    %slice3A_58 = vector.extract_strided_slice %get3A_8 {offsets = [0, 0], sizes = [1024, 7], strides = [1, 1]} : vector<1024x20xi32> to vector<1024x7xi32>
    %slice3A_59 = vector.extract_strided_slice %get3A_8 {offsets = [0, 0], sizes = [1024, 13], strides = [1, 1]} : vector<1024x20xi32> to vector<1024x13xi32>
    %concatenate3A_60 = tpu.concatenate %slice3A_58, %slice3A_59 in 1 : vector<1024x7xi32>, vector<1024x13xi32> -> vector<1024x20xi32>
    %eq3A_61 = arith.cmpi eq, %get3A_8, %concatenate3A_60 : vector<1024x20xi32>
    %ge3A_62 = arith.constant 7 : i32
    %ge3A_63 = vector.broadcast %ge3A_62 : i32 to vector<1024x20xi32>
    %ge3A_64 = arith.cmpi sge, %iota3A, %ge3A_63 : vector<1024x20xi32>
    %and3A_65 = arith.andi %eq3A_61, %ge3A_64 : vector<1024x20xi1>
    %or3A_66 = arith.ori %or3A_57, %and3A_65 : vector<1024x20xi1>
    %slice3A_67 = vector.extract_strided_slice %get3A_8 {offsets = [0, 0], sizes = [1024, 8], strides = [1, 1]} : vector<1024x20xi32> to vector<1024x8xi32>
    %slice3A_68 = vector.extract_strided_slice %get3A_8 {offsets = [0, 0], sizes = [1024, 12], strides = [1, 1]} : vector<1024x20xi32> to vector<1024x12xi32>
    %concatenate3A_69 = tpu.concatenate %slice3A_67, %slice3A_68 in 1 : vector<1024x8xi32>, vector<1024x12xi32> -> vector<1024x20xi32>
    %eq3A_70 = arith.cmpi eq, %get3A_8, %concatenate3A_69 : vector<1024x20xi32>
    %ge3A_71 = arith.constant 8 : i32
    %ge3A_72 = vector.broadcast %ge3A_71 : i32 to vector<1024x20xi32>
    %ge3A_73 = arith.cmpi sge, %iota3A, %ge3A_72 : vector<1024x20xi32>
    %and3A_74 = arith.andi %eq3A_70, %ge3A_73 : vector<1024x20xi1>
    %or3A_75 = arith.ori %or3A_66, %and3A_74 : vector<1024x20xi1>
    %slice3A_76 = vector.extract_strided_slice %get3A_8 {offsets = [0, 0], sizes = [1024, 9], strides = [1, 1]} : vector<1024x20xi32> to vector<1024x9xi32>
    %slice3A_77 = vector.extract_strided_slice %get3A_8 {offsets = [0, 0], sizes = [1024, 11], strides = [1, 1]} : vector<1024x20xi32> to vector<1024x11xi32>
    %concatenate3A_78 = tpu.concatenate %slice3A_76, %slice3A_77 in 1 : vector<1024x9xi32>, vector<1024x11xi32> -> vector<1024x20xi32>
    %eq3A_79 = arith.cmpi eq, %get3A_8, %concatenate3A_78 : vector<1024x20xi32>
    %ge3A_80 = arith.constant 9 : i32
    %ge3A_81 = vector.broadcast %ge3A_80 : i32 to vector<1024x20xi32>
    %ge3A_82 = arith.cmpi sge, %iota3A, %ge3A_81 : vector<1024x20xi32>
    %and3A_83 = arith.andi %eq3A_79, %ge3A_82 : vector<1024x20xi1>
    %or3A_84 = arith.ori %or3A_75, %and3A_83 : vector<1024x20xi1>
    %slice3A_85 = vector.extract_strided_slice %get3A_8 {offsets = [0, 0], sizes = [1024, 10], strides = [1, 1]} : vector<1024x20xi32> to vector<1024x10xi32>
    %slice3A_86 = vector.extract_strided_slice %get3A_8 {offsets = [0, 0], sizes = [1024, 10], strides = [1, 1]} : vector<1024x20xi32> to vector<1024x10xi32>
    %concatenate3A_87 = tpu.concatenate %slice3A_85, %slice3A_86 in 1 : vector<1024x10xi32>, vector<1024x10xi32> -> vector<1024x20xi32>
    %eq3A_88 = arith.cmpi eq, %get3A_8, %concatenate3A_87 : vector<1024x20xi32>
    %ge3A_89 = arith.constant 10 : i32
    %ge3A_90 = vector.broadcast %ge3A_89 : i32 to vector<1024x20xi32>
    %ge3A_91 = arith.cmpi sge, %iota3A, %ge3A_90 : vector<1024x20xi32>
    %and3A_92 = arith.andi %eq3A_88, %ge3A_91 : vector<1024x20xi1>
    %or3A_93 = arith.ori %or3A_84, %and3A_92 : vector<1024x20xi1>
    %slice3A_94 = vector.extract_strided_slice %get3A_8 {offsets = [0, 0], sizes = [1024, 11], strides = [1, 1]} : vector<1024x20xi32> to vector<1024x11xi32>
    %slice3A_95 = vector.extract_strided_slice %get3A_8 {offsets = [0, 0], sizes = [1024, 9], strides = [1, 1]} : vector<1024x20xi32> to vector<1024x9xi32>
    %concatenate3A_96 = tpu.concatenate %slice3A_94, %slice3A_95 in 1 : vector<1024x11xi32>, vector<1024x9xi32> -> vector<1024x20xi32>
    %eq3A_97 = arith.cmpi eq, %get3A_8, %concatenate3A_96 : vector<1024x20xi32>
    %ge3A_98 = arith.constant 11 : i32
    %ge3A_99 = vector.broadcast %ge3A_98 : i32 to vector<1024x20xi32>
    %ge3A_100 = arith.cmpi sge, %iota3A, %ge3A_99 : vector<1024x20xi32>
    %and3A_101 = arith.andi %eq3A_97, %ge3A_100 : vector<1024x20xi1>
    %or3A_102 = arith.ori %or3A_93, %and3A_101 : vector<1024x20xi1>
    %slice3A_103 = vector.extract_strided_slice %get3A_8 {offsets = [0, 0], sizes = [1024, 12], strides = [1, 1]} : vector<1024x20xi32> to vector<1024x12xi32>
    %slice3A_104 = vector.extract_strided_slice %get3A_8 {offsets = [0, 0], sizes = [1024, 8], strides = [1, 1]} : vector<1024x20xi32> to vector<1024x8xi32>
    %concatenate3A_105 = tpu.concatenate %slice3A_103, %slice3A_104 in 1 : vector<1024x12xi32>, vector<1024x8xi32> -> vector<1024x20xi32>
    %eq3A_106 = arith.cmpi eq, %get3A_8, %concatenate3A_105 : vector<1024x20xi32>
    %ge3A_107 = arith.constant 12 : i32
    %ge3A_108 = vector.broadcast %ge3A_107 : i32 to vector<1024x20xi32>
    %ge3A_109 = arith.cmpi sge, %iota3A, %ge3A_108 : vector<1024x20xi32>
    %and3A_110 = arith.andi %eq3A_106, %ge3A_109 : vector<1024x20xi1>
    %or3A_111 = arith.ori %or3A_102, %and3A_110 : vector<1024x20xi1>
    %slice3A_112 = vector.extract_strided_slice %get3A_8 {offsets = [0, 0], sizes = [1024, 13], strides = [1, 1]} : vector<1024x20xi32> to vector<1024x13xi32>
    %slice3A_113 = vector.extract_strided_slice %get3A_8 {offsets = [0, 0], sizes = [1024, 7], strides = [1, 1]} : vector<1024x20xi32> to vector<1024x7xi32>
    %concatenate3A_114 = tpu.concatenate %slice3A_112, %slice3A_113 in 1 : vector<1024x13xi32>, vector<1024x7xi32> -> vector<1024x20xi32>
    %eq3A_115 = arith.cmpi eq, %get3A_8, %concatenate3A_114 : vector<1024x20xi32>
    %ge3A_116 = arith.constant 13 : i32
    %ge3A_117 = vector.broadcast %ge3A_116 : i32 to vector<1024x20xi32>
    %ge3A_118 = arith.cmpi sge, %iota3A, %ge3A_117 : vector<1024x20xi32>
    %and3A_119 = arith.andi %eq3A_115, %ge3A_118 : vector<1024x20xi1>
    %or3A_120 = arith.ori %or3A_111, %and3A_119 : vector<1024x20xi1>
    %slice3A_121 = vector.extract_strided_slice %get3A_8 {offsets = [0, 0], sizes = [1024, 14], strides = [1, 1]} : vector<1024x20xi32> to vector<1024x14xi32>
    %slice3A_122 = vector.extract_strided_slice %get3A_8 {offsets = [0, 0], sizes = [1024, 6], strides = [1, 1]} : vector<1024x20xi32> to vector<1024x6xi32>
    %concatenate3A_123 = tpu.concatenate %slice3A_121, %slice3A_122 in 1 : vector<1024x14xi32>, vector<1024x6xi32> -> vector<1024x20xi32>
    %eq3A_124 = arith.cmpi eq, %get3A_8, %concatenate3A_123 : vector<1024x20xi32>
    %ge3A_125 = arith.constant 14 : i32
    %ge3A_126 = vector.broadcast %ge3A_125 : i32 to vector<1024x20xi32>
    %ge3A_127 = arith.cmpi sge, %iota3A, %ge3A_126 : vector<1024x20xi32>
    %and3A_128 = arith.andi %eq3A_124, %ge3A_127 : vector<1024x20xi1>
    %or3A_129 = arith.ori %or3A_120, %and3A_128 : vector<1024x20xi1>
    %slice3A_130 = vector.extract_strided_slice %get3A_8 {offsets = [0, 0], sizes = [1024, 15], strides = [1, 1]} : vector<1024x20xi32> to vector<1024x15xi32>
    %slice3A_131 = vector.extract_strided_slice %get3A_8 {offsets = [0, 0], sizes = [1024, 5], strides = [1, 1]} : vector<1024x20xi32> to vector<1024x5xi32>
    %concatenate3A_132 = tpu.concatenate %slice3A_130, %slice3A_131 in 1 : vector<1024x15xi32>, vector<1024x5xi32> -> vector<1024x20xi32>
    %eq3A_133 = arith.cmpi eq, %get3A_8, %concatenate3A_132 : vector<1024x20xi32>
    %ge3A_134 = arith.constant 15 : i32
    %ge3A_135 = vector.broadcast %ge3A_134 : i32 to vector<1024x20xi32>
    %ge3A_136 = arith.cmpi sge, %iota3A, %ge3A_135 : vector<1024x20xi32>
    %and3A_137 = arith.andi %eq3A_133, %ge3A_136 : vector<1024x20xi1>
    %or3A_138 = arith.ori %or3A_129, %and3A_137 : vector<1024x20xi1>
    %slice3A_139 = vector.extract_strided_slice %get3A_8 {offsets = [0, 0], sizes = [1024, 16], strides = [1, 1]} : vector<1024x20xi32> to vector<1024x16xi32>
    %slice3A_140 = vector.extract_strided_slice %get3A_8 {offsets = [0, 0], sizes = [1024, 4], strides = [1, 1]} : vector<1024x20xi32> to vector<1024x4xi32>
    %concatenate3A_141 = tpu.concatenate %slice3A_139, %slice3A_140 in 1 : vector<1024x16xi32>, vector<1024x4xi32> -> vector<1024x20xi32>
    %eq3A_142 = arith.cmpi eq, %get3A_8, %concatenate3A_141 : vector<1024x20xi32>
    %ge3A_143 = arith.constant 16 : i32
    %ge3A_144 = vector.broadcast %ge3A_143 : i32 to vector<1024x20xi32>
    %ge3A_145 = arith.cmpi sge, %iota3A, %ge3A_144 : vector<1024x20xi32>
    %and3A_146 = arith.andi %eq3A_142, %ge3A_145 : vector<1024x20xi1>
    %or3A_147 = arith.ori %or3A_138, %and3A_146 : vector<1024x20xi1>
    %slice3A_148 = vector.extract_strided_slice %get3A_8 {offsets = [0, 0], sizes = [1024, 17], strides = [1, 1]} : vector<1024x20xi32> to vector<1024x17xi32>
    %slice3A_149 = vector.extract_strided_slice %get3A_8 {offsets = [0, 0], sizes = [1024, 3], strides = [1, 1]} : vector<1024x20xi32> to vector<1024x3xi32>
    %concatenate3A_150 = tpu.concatenate %slice3A_148, %slice3A_149 in 1 : vector<1024x17xi32>, vector<1024x3xi32> -> vector<1024x20xi32>
    %eq3A_151 = arith.cmpi eq, %get3A_8, %concatenate3A_150 : vector<1024x20xi32>
    %ge3A_152 = arith.constant 17 : i32
    %ge3A_153 = vector.broadcast %ge3A_152 : i32 to vector<1024x20xi32>
    %ge3A_154 = arith.cmpi sge, %iota3A, %ge3A_153 : vector<1024x20xi32>
    %and3A_155 = arith.andi %eq3A_151, %ge3A_154 : vector<1024x20xi1>
    %or3A_156 = arith.ori %or3A_147, %and3A_155 : vector<1024x20xi1>
    %slice3A_157 = vector.extract_strided_slice %get3A_8 {offsets = [0, 0], sizes = [1024, 18], strides = [1, 1]} : vector<1024x20xi32> to vector<1024x18xi32>
    %slice3A_158 = vector.extract_strided_slice %get3A_8 {offsets = [0, 0], sizes = [1024, 2], strides = [1, 1]} : vector<1024x20xi32> to vector<1024x2xi32>
    %concatenate3A_159 = tpu.concatenate %slice3A_157, %slice3A_158 in 1 : vector<1024x18xi32>, vector<1024x2xi32> -> vector<1024x20xi32>
    %eq3A_160 = arith.cmpi eq, %get3A_8, %concatenate3A_159 : vector<1024x20xi32>
    %ge3A_161 = arith.constant 18 : i32
    %ge3A_162 = vector.broadcast %ge3A_161 : i32 to vector<1024x20xi32>
    %ge3A_163 = arith.cmpi sge, %iota3A, %ge3A_162 : vector<1024x20xi32>
    %and3A_164 = arith.andi %eq3A_160, %ge3A_163 : vector<1024x20xi1>
    %or3A_165 = arith.ori %or3A_156, %and3A_164 : vector<1024x20xi1>
    %slice3A_166 = vector.extract_strided_slice %get3A_8 {offsets = [0, 0], sizes = [1024, 19], strides = [1, 1]} : vector<1024x20xi32> to vector<1024x19xi32>
    %slice3A_167 = vector.extract_strided_slice %get3A_8 {offsets = [0, 0], sizes = [1024, 1], strides = [1, 1]} : vector<1024x20xi32> to vector<1024x1xi32>
    %concatenate3A_168 = tpu.concatenate %slice3A_166, %slice3A_167 in 1 : vector<1024x19xi32>, vector<1024x1xi32> -> vector<1024x20xi32>
    %eq3A_169 = arith.cmpi eq, %get3A_8, %concatenate3A_168 : vector<1024x20xi32>
    %ge3A_170 = arith.constant 19 : i32
    %ge3A_171 = vector.broadcast %ge3A_170 : i32 to vector<1024x20xi32>
    %ge3A_172 = arith.cmpi sge, %iota3A, %ge3A_171 : vector<1024x20xi32>
    %and3A_173 = arith.andi %eq3A_169, %ge3A_172 : vector<1024x20xi1>
    %or3A_174 = arith.ori %or3A_165, %and3A_173 : vector<1024x20xi1>
    %jit3A = arith.constant 0.000000e+00 : f32
    %jit3A_175 = arith.constant 1.000000e+00 : f32
    %broadcast_in_dim3A_176 = vector.broadcast %jit3A : f32 to vector<1024x20xf32>
    %broadcast_in_dim3A_177 = vector.broadcast %jit3A_175 : f32 to vector<1024x20xf32>
    %select_n3A = arith.select %or3A_174, %broadcast_in_dim3A_176, %broadcast_in_dim3A_177 : vector<1024x20xi1>, vector<1024x20xf32>
    %reduce_sum3A_178 = vector.shape_cast %select_n3A : vector<1024x20xf32> to vector<1x1024x20xf32>
    %reduce_sum3A_179 = arith.constant dense<0.000000e+00> : vector<1xf32>
    %reduce_sum3A_180 = vector.multi_reduction <add>, %reduce_sum3A_178, %reduce_sum3A_179 [1, 2] : vector<1x1024x20xf32> to vector<1xf32>
    %reduce_sum3A_181 = vector.shape_cast %reduce_sum3A_180 : vector<1xf32> to vector<1x1x1xf32>
    %reduce_sum3A_182 = vector.extract %reduce_sum3A_181[0, 0, 0] : f32 from vector<1x1x1xf32>
    %get3A_183 = arith.constant 0 : index
    %get3A_184 = arith.constant 0 : index
    %get3A_185 = vector.load %arg1[%get3A_183, %get3A_184] : memref<1024x20xf32, #tpu.memory_space<vmem>>, vector<1024x20xf32>
    %mul3A = arith.mulf %select_n3A, %get3A_185 : vector<1024x20xf32>
    %reduce_sum3A_186 = vector.shape_cast %mul3A : vector<1024x20xf32> to vector<1x1024x20xf32>
    %reduce_sum3A_187 = arith.constant dense<0.000000e+00> : vector<1xf32>
    %reduce_sum3A_188 = vector.multi_reduction <add>, %reduce_sum3A_186, %reduce_sum3A_187 [1, 2] : vector<1x1024x20xf32> to vector<1xf32>
    %reduce_sum3A_189 = vector.shape_cast %reduce_sum3A_188 : vector<1xf32> to vector<1x1x1xf32>
    %reduce_sum3A_190 = vector.extract %reduce_sum3A_189[0, 0, 0] : f32 from vector<1x1x1xf32>
    %mul3A_191 = arith.constant -0.139535353 : f32
    %mul3A_192 = arith.mulf %reduce_sum3A_182, %mul3A_191 : f32
    %add3A = arith.constant -1414.97083 : f32
    %add3A_193 = arith.addf %add3A, %mul3A_192 : f32
    %mul3A_194 = arith.constant 1.00020009E-6 : f32
    %mul3A_195 = arith.mulf %mul3A_194, %reduce_sum3A_5 : f32
    %sub3A = arith.subf %add3A_193, %mul3A_195 : f32
    %mul3A_196 = arith.constant 4.499900e-02 : f32
    %mul3A_197 = arith.mulf %mul3A_196, %reduce_sum3A_190 : f32
    %sub3A_198 = arith.subf %sub3A, %mul3A_197 : f32
    %swap3A = arith.constant 0 : index
    %swap3A_199 = arith.constant 0 : index
    %swap3A_200 = memref.load %arg3[%swap3A, %swap3A_199] : memref<1x1xf32, #tpu.memory_space<smem>>
    memref.store %sub3A_198, %arg3[%swap3A, %swap3A_199] : memref<1x1xf32, #tpu.memory_space<smem>>
    return
  }
}

</mosaic_0001>

<sc_bundles>
// kernel: kernel.4.cloned.1.call-start
scs
__scs_entry_jumppad:
0x0: {  	(pc) =	sbr.rel $0x88, $3  }
0x1: {  	(tag) =	ssettag $0x0;
	lr =	simm.s32 $0x1  }
0x2: {  	[smem:$0x3F9F] =	sst lr;
	_ =	strace $0xD0000000  }
0x3: {  	_ = 	snop  }
0x4: {  	_ = 	snop  }
0x5: {  	_ = 	snop  }
0x6: {  	_ = 	snop  }
0x7: {  	_ = 	snop  }
__scs_overlays_trampoline_lowered:
0x8: {  	[smem:$0x3FAE] =	sst s0  }
0x9: {  	[smem:$0x3FAF] =	sst s1  }
0xa: {  	[smem:$0x3FB0] =	sst s2  }
0xb: {  	[smem:$0x3FB1] =	sst s3  }
0xc: {  	[smem:$0x3FB2] =	sst s4  }
0xd: {  	[smem:$0x3FB3] =	sst s5  }
0xe: {  	[smem:$0x3FB4] =	sst s6  }
0xf: {  	[smem:$0x3FB5] =	sst s7  }
0x10: {  	[smem:$0x3FB6] =	sst s8  }
0x11: {  	[smem:$0x3FB7] =	sst s9;
	s0 =	simm.s32 @!p0 $0x0  }
0x12: {  	s1 =	sld [smem:$0x3F9D];
	s0 =	simm.s32 @p0 $0x1  }
0x13: {  	[smem:$0x3FB8] =	sst s0;
	s0 =	simm.s32 @!p1 $0x0  }
0x14: {  	s2 =	sld [smem:$0x3F9C];
	s0 =	simm.s32 @p1 $0x1  }
0x15: {  	[smem:$0x3FB9] =	sst s0;
	s0 =	simm.s32 @!p2 $0x0  }
0x16: {  	s3 =	sld [smem:$0x3FDB];
	s0 =	simm.s32 @p2 $0x1  }
0x17: {  	s4 =	simm.s32 $0x1BF5;
	[smem:$0x3FBB] =	sst s0  }
0x18: {  	s0 =	sld [smem:$0x3F9E];
	_ =	swait.ge [sflag:s4], $0x0  }
0x19: {  	s7 =	sld [smem:$0x3F9F]  }
0x1a: {  	s8 =	sadd.s32 $0xFFFFE003, lr  }
0x1b: {  	s9 =	sadd.s32 $0xFFFFFEF7, lr;
	s5 =	simm.s32 $0xFFFFFFFF;
	p2 =	slt.u32 s8, $0xFFFFF086  }
0x1c: {  	p1 =	slt.u32 s9, $0xF7A;
	s5 =	simm.s32 @!p2 $0x0  }
0x1d: {  	s5 =	simm.s32 @p1 $0x1;
	p0 =	seq.s32 s7, s2  }
0x1e: {  	s7 =	smul.u32 @!p0 $0xF7A, s2;
	p2 =	seq.s32 @!p0 s5, $0x0  }
0x1f: {  	s9 =	smul.u32 $0xF7A, s1;
	s8 =	simm.s32 @!p0 $0x1BF5;
	p2 =	por !p2, p0  }
0x20: {  	[sflag:s8] =	ssyncset.s32 @!p0 $0xFFFFF086;
	s6 =	sadd.s32 @!p0 s3, s7;
	s7 =	simm.s32 @!p0 $0x108  }
0x21: {  	s3 =	sadd.s32 s3, s9;
	s6 =	sadd.s32 @!p0 $0x88, s6;
	s7 =	simm.s32 @p2 $0x1082  }
0x22: {  	[simem:s7], [sflag:s8] =	dma.local @!p0 [hbm:s6], $0xF7A  }
0x23: {  	s9 =	sor.u32 $0xD0000000, s2;
	s6 =	simm.s32 $0x108;
	_ =	swait.ge @!p0 [sflag:s8], $0x0  }
0x24: {  	s3 =	sadd.s32 $0x88, s3;
	s6 =	simm.s32 @!p1 $0x1082;
	[sflag:s4] =	ssyncset.s32 $0xFFFFF086  }
0x25: {  	[simem:s6], [sflag:s4] =	dma.local [hbm:s3], $0xF7A  }
0x26: {  	[smem:$0x3F9F] =	sst s1;
	(tag) =	ssettag s2;
	_ =	strace s9  }
0x27: {  	s1 =	sld [smem:$0x3FAF]  }
0x28: {  	s2 =	sld [smem:$0x3FB0]  }
0x29: {  	s4 =	sld [smem:$0x3FB2]  }
0x2a: {  	p0 =	seq.s32 s5, $0x0;
	s5 =	sld [smem:$0x3FB3]  }
0x2b: {  	s6 =	sld [smem:$0x3FB4]  }
0x2c: {  	s7 =	sld [smem:$0x3FB5]  }
0x2d: {  	s3 =	simm.s32 $0x108;
	s8 =	sld [smem:$0x3FB6]  }
0x2e: {  	s3 =	simm.s32 @!p0 $0x1082;
	s9 =	sld [smem:$0x3FB7]  }
0x2f: {  	lr =	sadd.s32 s0, s3;
	s0 =	sld [smem:$0x3FAE]  }
0x30: {  	s3 =	sld [smem:$0x3FB1]  }
0x31: {  	[smem:$0x3FBA] =	sst s10  }
0x32: {  	s10 =	sld [smem:$0x3FB8];
	_ =	sdelay $0x3  }
0x33: {  	p0 =	seq.s32 s10, $0x1;
	s10 =	sld [smem:$0x3FBA];
	_ =	sdelay $0x3  }
0x34: {  	[smem:$0x3FBA] =	sst s10  }
0x35: {  	s10 =	sld [smem:$0x3FB9];
	_ =	sdelay $0x3  }
0x36: {  	p1 =	seq.s32 s10, $0x1;
	s10 =	sld [smem:$0x3FBA];
	_ =	sdelay $0x3  }
0x37: {  	[smem:$0x3FBA] =	sst s10  }
0x38: {  	s10 =	sld [smem:$0x3FBB]  }
0x39: {  	_ = 	snop;
	(pc) =	sbr.ind lr, $3  }
0x3a: {  	_ = 	snop  }
0x3b: {  	_ = 	snop  }
0x3c: {  	p2 =	seq.s32 s10, $0x1;
	s10 =	sld [smem:$0x3FBA]  }
0x3d: {  	_ =	shalt  }
0x3e: {  	_ =	shalt  }
0x3f: {  	_ =	shalt  }
0x40: {  	_ =	shalt  }
0x41: {  	_ =	shalt  }
0x42: {  	_ =	shalt  }
0x43: {  	_ =	shalt  }
0x44: {  	_ =	shalt  }
0x45: {  	_ =	shalt  }
0x46: {  	_ =	shalt  }
0x47: {  	_ =	shalt  }
0x48: {  	_ =	shalt  }
0x49: {  	_ =	shalt  }
0x4a: {  	_ =	shalt  }
0x4b: {  	_ =	shalt  }
0x4c: {  	_ =	shalt  }
0x4d: {  	_ =	shalt  }
0x4e: {  	_ =	shalt  }
0x4f: {  	_ =	shalt  }
0x50: {  	_ =	shalt  }
0x51: {  	_ =	shalt  }
0x52: {  	_ =	shalt  }
0x53: {  	_ =	shalt  }
0x54: {  	_ =	shalt  }
0x55: {  	_ =	shalt  }
0x56: {  	_ =	shalt  }
0x57: {  	_ =	shalt  }
0x58: {  	_ =	shalt  }
0x59: {  	_ =	shalt  }
0x5a: {  	_ =	shalt  }
0x5b: {  	_ =	shalt  }
0x5c: {  	_ =	shalt  }
0x5d: {  	_ =	shalt  }
0x5e: {  	_ =	shalt  }
0x5f: {  	_ =	shalt  }
0x60: {  	_ =	shalt  }
0x61: {  	_ =	shalt  }
0x62: {  	_ =	shalt  }
0x63: {  	_ =	shalt  }
0x64: {  	_ =	shalt  }
0x65: {  	_ =	shalt  }
0x66: {  	_ =	shalt  }
0x67: {  	_ =	shalt  }
0x68: {  	_ =	shalt  }
0x69: {  	_ =	shalt  }
0x6a: {  	_ =	shalt  }
0x6b: {  	_ =	shalt  }
0x6c: {  	_ =	shalt  }
0x6d: {  	_ =	shalt  }
0x6e: {  	_ =	shalt  }
0x6f: {  	_ =	shalt  }
0x70: {  	_ =	shalt  }
0x71: {  	_ =	shalt  }
0x72: {  	_ =	shalt  }
0x73: {  	_ =	shalt  }
0x74: {  	_ =	shalt  }
0x75: {  	_ =	shalt  }
0x76: {  	_ =	shalt  }
0x77: {  	_ =	shalt  }
0x78: {  	_ =	shalt  }
0x79: {  	_ =	shalt  }
0x7a: {  	_ =	shalt  }
0x7b: {  	_ =	shalt  }
0x7c: {  	_ =	shalt  }
0x7d: {  	_ =	shalt  }
0x7e: {  	_ =	shalt  }
0x7f: {  	_ =	shalt  }
0x80: {  	_ =	shalt  }
0x81: {  	_ =	shalt  }
0x82: {  	_ =	shalt  }
0x83: {  	_ =	shalt  }
0x84: {  	_ =	shalt  }
0x85: {  	_ =	shalt  }
0x86: {  	_ =	shalt  }
0x87: {  	_ =	shalt  }
.Lfunc_end0:
.L_simem_size_0:
called_computation_lowered:
.L_overlay_start_0:
0x88: {  	s2 =	sld [smem:$0x3FD9]  }
0x89: {  	s3 =	sld [smem:$0x3FFE];
	_ =	sdelay $0x1  }
0x8a: {  	s1 =	srdreg.scid  }
0x8b: {  	s0 =	sand.u32 $0x1, s1  }
0x8c: {  	s16 =	sshll.u32 s0, $0xA;
	s2 =	sadd.s32 s3, s2  }
0x8d: {  	s2 =	sadd.s32 s2, s16  }
0x8e: {  	[smem:$0x3FC6] =	sst s2  }
0x8f: {  	_ = 	snop  }
0x90: {  	(tm) =	ssettm $0x1  }
0x91: {  	s17 =	sld [smem:$0x3FFB];
	_ =	sdelay $0x3  }
0x92: {  	_ =	strace s17  }
0x93: {  	s2 =	sld [smem:$0x3FFC];
	_ =	sdelay $0x3  }
0x94: {  	_ =	strace s2  }
0x95: {  	s2 =	sld [smem:$0x3FFD];
	_ =	sdelay $0x3  }
0x96: {  	_ =	strace s2  }
0x97: {  	_ =	strace $0x8FFFFFFF  }
0x98: {  	s18 =	sld [smem:$0x3FDB];
	_ =	sdelay $0x1  }
0x99: {  	s19 =	simm.s32 $_scs_section_size  }
0x9a: {  	s4 =	simm.s32 $_size__tile_overlayer_lowered;
	s5 =	simm.s32 $_tile_overlayer_lowered  }
0x9b: {  	s22 =	simm.s32 $0x1BFF;
	s21 =	sshll.u32 s5, $0x1;
	s2 =	sadd.s32 s19, s18  }
0x9c: {  	s6 =	simm.s32 $0x0;
	s20 =	sshll.u32 s4, $0x1;
	s4 =	sadd.s32 s21, s2  }
0x9d: {  	[timem:s6], [sflag:s22] =	dma.local [hbm:s4], s20  }
0x9e: {  	_ =	swait.ge [sflag:s22], s20  }
0x9f: {  	s3 =	ssub.s32 $0x0, s20;
	[sflag:s22] =	ssyncset.done $0x0  }
0xa0: {  	[sflag:s22] =	ssyncadd.s32 s3;
	_ =	sdelay $0x1  }
0xa1: {  	s23 =	simm.s32 $0x1B8B  }
0xa2: {  	_ =	swait.ge [sflag:s23], $0x1  }
0xa3: {  	[sflag:s23] =	ssyncset.done $0x0  }
0xa4: {  	s25 =	simm.s32 $0x1B8E;
	s24 =	sld [smem:$0x3FFE];
	[sflag:s23] =	ssyncadd.s32 $0xFFFFFFFF  }
0xa5: {  	s26 =	simm.s32 $execute0_lowered;
	[smem:$0x3FD2] =	sst s25  }
0xa6: {  	s4 =	sshll.u32 s26, $0x1;
	_ =	strace $0x80000046;
	[dreg:$0x1] =	wrdreg $0xFFFFFFFF  }
0xa7: {  	s28 =	simm.s32 $_size_execute0_lowered;
	s2 =	sadd.s32 s2, s4;
	[dreg:$0x0] =	wrdreg $0x0  }
0xa8: {  	s4 =	sshll.u32 s28, $0x1;
	[dreg:$0x2] =	wrdreg s2  }
0xa9: {  	[dreg:$0x3] =	wrdreg s4  }
0xaa: {  	[dreg:$0x4] =	wrdreg $0xC0  }
0xab: {  	_ =	task [dreg:s6], $0x5FFFF  }
0xac: {  	[dreg:$0x1] =	wrdreg $0xFFFFFFFF  }
0xad: {  	[dreg:$0x0] =	wrdreg $0x60  }
0xae: {  	[dreg:$0x2] =	wrdreg s24  }
0xaf: {  	[dreg:$0x3] =	wrdreg $0x9  }
0xb0: {  	_ =	task.clear_ibuf [dreg:s6], $0x4FFFF;
	_ =	strace $0x90000046  }
0xb1: {  	s29 =	simm.s32 $0x9;
	_ =	strace $0x80000048  }
0xb2: {  	_ =	swait.ge [sflag:s29], $0x1  }
0xb3: {  	[sflag:s29] =	ssyncadd.s32 $0xFFFFFFFF  }
0xb4: {  	_ =	strace $0x90000048  }
0xb5: {  	_ =	sfence  }
0xb6: {  	s30 =	sld [smem:$0x0];
	_ =	sdelay $0x2  }
0xb7: {  	s31 =	sshll.u32 s1, $0xD;
	s1 =	sshrl.u32 s1, $0x2  }
0xb8: {  	s3 =	sand.u32 $0x4000, s31;
	s1 =	sadd.s32 s1, s30  }
0xb9: {  	s0 =	sor.u32 s3, s0;
	s1 =	sshll.u32 s1, $0x11  }
0xba: {  	s0 =	sor.u32 s1, s0  }
0xbb: {  	s0 =	sadd.s32 $0x8F2B, s0  }
0xbc: {  	[sflag:s0] =	ssyncadd.remote.s32 $0x1  }
0xbd: {  	_ =	sfence.sel $0xFFFF  }
0xbe: {  	[dreg:$0x0] =	wrdreg $0xFFFFFFFF;
	(pc) =	sbr.abs _section_cstart, $3  }
0xbf: {  	[dreg:$0x1] =	wrdreg $0xFFFFFFFF  }
0xc0: {  	_ =	task.clear_ibuf [dreg:s6], $0x2FFFF;
	_ =	strace $0x9FFFFFFF  }
0xc1: {  	(tm) =	ssettm $0x7FFFFFFF  }
tec
execute0_lowered:
.L_overlay_start_1:
0x0: {  	(tag) =	ssettag $0x1  }
0x1: {  	s1 =	srdreg.scid;
	s3 =	stileid.u32  }
0x2: {  	s1 =	sand.u32 $0x1, s1;
	s3 =	sshll.u32 s3, $0x1  }
0x3: {  	s4 =	sor.u32 s1, s3  }
0x4: {  	s7 =	smul.u32 $0x30D400, s4  }
0x5: {  	s0 =	rddreg [dreg:$0x0]  }
0x6: {  	s2 =	simm.s32 $0x0;
	s3 =	sadd.s32 $0xC38E00, s0;
	s24 =	sshrl.u32 s7, $0x3  }
0x7: {  	[smem:$0x7FF] =	sst s2;
	s9 =	sadd.s32 s3, s24  }
0x8: {  	_ =	strace $0x80000047;
	s22 =	ssub.s32 $0x2, s1;
	s25 =	sadd.s32 $0x30D4, s9  }
0x9: {  	s6 =	sshll.u32 s4, $0x1;
	s26 =	sadd.s32 $0x61A8, s9;
	[dreg:$0x2] =	wrdreg s25  }
0xa: {  	s1 =	sshrl.u32 s22, $0x1;
	s28 =	sadd.s32 $0x927C, s9;
	[dreg:$0x3] =	wrdreg s26  }
0xb: {  	s13 =	ssub.s32 s22, s1;
	s1 =	sadd.s32 $0xC350, s9;
	[dreg:$0x4] =	wrdreg s28  }
0xc: {  	s10 =	sadd.s32 s6, s0;
	s6 =	sadd.s32 $0xF424, s9;
	[dreg:$0x5] =	wrdreg s1  }
0xd: {  	s7 =	sadd.s32 $0x124F8, s9;
	[dreg:$0x6] =	wrdreg s6  }
0xe: {  	s8 =	sadd.s32 $0x155CC, s9;
	[dreg:$0x7] =	wrdreg s7  }
0xf: {  	s11 =	sadd.s32 $0x186A0, s9;
	[dreg:$0x8] =	wrdreg s8  }
0x10: {  	s5 =	smul.u32 $0x60, s4;
	s14 =	sadd.s32 $0x1B774, s9;
	[dreg:$0x9] =	wrdreg s11  }
0x11: {  	s23 =	smul.u32 $0x61A80, s4;
	s15 =	sadd.s32 $0x1E848, s9;
	[dreg:$0xa] =	wrdreg s14  }
0x12: {  	s4 =	sshll.u32 s4, $0x5;
	s16 =	sadd.s32 $0x2191C, s9;
	[dreg:$0xb] =	wrdreg s15  }
0x13: {  	s12 =	sadd.s32 s5, s0;
	s17 =	sadd.s32 $0x249F0, s9;
	[dreg:$0xc] =	wrdreg s16  }
0x14: {  	s5 =	sadd.s32 s3, s23;
	s18 =	sadd.s32 $0x27AC4, s9;
	[dreg:$0xd] =	wrdreg s17  }
0x15: {  	s10 =	sadd.s32 $0x2600, s10;
	s19 =	sadd.s32 $0x2AB98, s9;
	[dreg:$0xe] =	wrdreg s18  }
0x16: {  	s13 =	smax.u32 s13, $0x1;
	s20 =	sadd.s32 $0x2DC6C, s9;
	[dreg:$0xf] =	wrdreg s19  }
0x17: {  	s21 =	sadd.s32 $0x30D40, s9;
	s22 =	sadd.s32 $0x33E14, s9;
	[dreg:$0x10] =	wrdreg s20  }
0x18: {  	s23 =	sadd.s32 $0x36EE8, s9;
	s24 =	sadd.s32 $0x39FBC, s9;
	[dreg:$0x11] =	wrdreg s21  }
0x19: {  	s29 =	sadd.s32 $0x4630C, s9;
	s30 =	sadd.s32 $0x493E0, s9;
	[dreg:$0x12] =	wrdreg s22  }
0x1a: {  	s31 =	sadd.s32 $0x4C4B4, s9;
	s0 =	sadd.s32 $0x4F588, s9;
	[dreg:$0x13] =	wrdreg s23  }
0x1b: {  	[dreg:$0x14] =	wrdreg s24;
	s25 =	sadd.s32 $0x3D090, s9;
	s26 =	sadd.s32 $0x40164, s9  }
0x1c: {  	s28 =	sadd.s32 $0x43238, s9;
	s1 =	sadd.s32 $0x5265C, s9;
	s6 =	sadd.s32 $0x55730, s9  }
0x1d: {  	s7 =	sadd.s32 $0x58804, s9;
	s8 =	sadd.s32 $0x5B8D8, s9;
	s9 =	sadd.s32 $0x5E9AC, s9  }
0x1e: {  	s11 =	sadd.s32 $0xE00, s12;
	s12 =	sadd.s32 $0x1A00, s12;
	s14 =	simm.s32 $0x4  }
0x1f: {  	s15 =	simm.s32 $0x14;
	s16 =	simm.s32 $0x300;
	[dreg:$0x15] =	wrdreg s25  }
0x20: {  	s17 =	simm.s32 $0x600;
	s18 =	simm.s32 $0x1;
	[dreg:$0x16] =	wrdreg s26  }
0x21: {  	s19 =	simm.s32 $0x2;
	s20 =	simm.s32 $0x0;
	[dreg:$0x17] =	wrdreg s28  }
.LBB2_1:
0x22: {  	[tilespmem:s2], [sflag:$0x4] =	stream.linear.gather [hbm4b:s11+s2], $0x300, $0x38;
	[tilespmem:$0x18CA0] =	vst v63  }
0x23: {  	_ =	swait.ge [sflag:s14], $0x300  }
0x24: {  	[sflag:s14] =	ssyncset.done $0x0  }
0x25: {  	[sflag:s14] =	ssyncadd.s32 $0xFFFFFD00  }
0x26: {  	[tilespmem:s16], [sflag:$0x1] =	stream.indirect.gather [hbm4b:s5+s15], $0x1, s2, s15, $0xb8;
	[tilespmem:$0x18CA0] =	vst v63  }
0x27: {  	s22 =	simm.s32 $0x18;
	s23 =	simm.s32 $0x318;
	s21 =	rddreg [dreg:$0x2]  }
0x28: {  	[tilespmem:s23], [sflag:$0x1] =	stream.indirect.gather [hbm4b:s21+s15], $0x1, s22, s15, $0xb8;
	[tilespmem:$0x18CA0] =	vst v63  }
0x29: {  	s26 =	simm.s32 $0x30;
	s28 =	simm.s32 $0x330;
	s25 =	rddreg [dreg:$0x3]  }
0x2a: {  	[tilespmem:s28], [sflag:$0x1] =	stream.indirect.gather [hbm4b:s25+s15], $0x1, s26, s15, $0xb8;
	[tilespmem:$0x18CA0] =	vst v63  }
0x2b: {  	s24 =	simm.s32 $0x348;
	s22 =	rddreg [dreg:$0x4];
	s23 =	simm.s32 $0x48  }
0x2c: {  	[tilespmem:s24], [sflag:$0x1] =	stream.indirect.gather [hbm4b:s22+s15], $0x1, s23, s15, $0xb8;
	[tilespmem:$0x18CA0] =	vst v63  }
0x2d: {  	s25 =	rddreg [dreg:$0x5];
	s26 =	simm.s32 $0x60;
	s28 =	simm.s32 $0x360  }
0x2e: {  	[tilespmem:s28], [sflag:$0x1] =	stream.indirect.gather [hbm4b:s25+s15], $0x1, s26, s15, $0xb8;
	[tilespmem:$0x18CA0] =	vst v63  }
0x2f: {  	s22 =	rddreg [dreg:$0x6];
	s23 =	simm.s32 $0x78;
	s24 =	simm.s32 $0x378  }
0x30: {  	[tilespmem:s24], [sflag:$0x1] =	stream.indirect.gather [hbm4b:s22+s15], $0x1, s23, s15, $0xb8;
	[tilespmem:$0x18CA0] =	vst v63  }
0x31: {  	s25 =	rddreg [dreg:$0x7];
	s26 =	simm.s32 $0x90;
	s28 =	simm.s32 $0x390  }
0x32: {  	[tilespmem:s28], [sflag:$0x1] =	stream.indirect.gather [hbm4b:s25+s15], $0x1, s26, s15, $0xb8;
	[tilespmem:$0x18CA0] =	vst v63  }
0x33: {  	s22 =	rddreg [dreg:$0x8];
	s23 =	simm.s32 $0xA8;
	s24 =	simm.s32 $0x3A8  }
0x34: {  	[tilespmem:s24], [sflag:$0x1] =	stream.indirect.gather [hbm4b:s22+s15], $0x1, s23, s15, $0xb8;
	[tilespmem:$0x18CA0] =	vst v63  }
0x35: {  	s25 =	rddreg [dreg:$0x9];
	s26 =	simm.s32 $0xC0;
	s28 =	simm.s32 $0x3C0  }
0x36: {  	[tilespmem:s28], [sflag:$0x1] =	stream.indirect.gather [hbm4b:s25+s15], $0x1, s26, s15, $0xb8;
	[tilespmem:$0x18CA0] =	vst v63  }
0x37: {  	s22 =	rddreg [dreg:$0xa];
	s23 =	simm.s32 $0xD8;
	s24 =	simm.s32 $0x3D8  }
0x38: {  	[tilespmem:s24], [sflag:$0x1] =	stream.indirect.gather [hbm4b:s22+s15], $0x1, s23, s15, $0xb8;
	[tilespmem:$0x18CA0] =	vst v63  }
0x39: {  	s25 =	rddreg [dreg:$0xb];
	s26 =	simm.s32 $0xF0;
	s28 =	simm.s32 $0x3F0  }
0x3a: {  	[tilespmem:s28], [sflag:$0x1] =	stream.indirect.gather [hbm4b:s25+s15], $0x1, s26, s15, $0xb8;
	[tilespmem:$0x18CA0] =	vst v63  }
0x3b: {  	s22 =	rddreg [dreg:$0xc];
	s23 =	simm.s32 $0x108;
	s24 =	simm.s32 $0x408  }
0x3c: {  	[tilespmem:s24], [sflag:$0x1] =	stream.indirect.gather [hbm4b:s22+s15], $0x1, s23, s15, $0xb8;
	[tilespmem:$0x18CA0] =	vst v63  }
0x3d: {  	s25 =	rddreg [dreg:$0xd];
	s26 =	simm.s32 $0x120;
	s28 =	simm.s32 $0x420  }
0x3e: {  	[tilespmem:s28], [sflag:$0x1] =	stream.indirect.gather [hbm4b:s25+s15], $0x1, s26, s15, $0xb8;
	[tilespmem:$0x18CA0] =	vst v63  }
0x3f: {  	s22 =	rddreg [dreg:$0xe];
	s23 =	simm.s32 $0x138;
	s24 =	simm.s32 $0x438  }
0x40: {  	[tilespmem:s24], [sflag:$0x1] =	stream.indirect.gather [hbm4b:s22+s15], $0x1, s23, s15, $0xb8;
	[tilespmem:$0x18CA0] =	vst v63  }
0x41: {  	s25 =	rddreg [dreg:$0xf];
	s26 =	simm.s32 $0x150;
	s28 =	simm.s32 $0x450  }
0x42: {  	[tilespmem:s28], [sflag:$0x1] =	stream.indirect.gather [hbm4b:s25+s15], $0x1, s26, s15, $0xb8;
	[tilespmem:$0x18CA0] =	vst v63  }
0x43: {  	s22 =	rddreg [dreg:$0x10];
	s23 =	simm.s32 $0x168;
	s24 =	simm.s32 $0x468  }
0x44: {  	[tilespmem:s24], [sflag:$0x1] =	stream.indirect.gather [hbm4b:s22+s15], $0x1, s23, s15, $0xb8;
	[tilespmem:$0x18CA0] =	vst v63  }
0x45: {  	s25 =	rddreg [dreg:$0x11];
	s26 =	simm.s32 $0x180;
	s28 =	simm.s32 $0x480  }
0x46: {  	[tilespmem:s28], [sflag:$0x1] =	stream.indirect.gather [hbm4b:s25+s15], $0x1, s26, s15, $0xb8;
	[tilespmem:$0x18CA0] =	vst v63  }
0x47: {  	s22 =	rddreg [dreg:$0x12];
	s23 =	simm.s32 $0x198;
	s24 =	simm.s32 $0x498  }
0x48: {  	[tilespmem:s24], [sflag:$0x1] =	stream.indirect.gather [hbm4b:s22+s15], $0x1, s23, s15, $0xb8;
	[tilespmem:$0x18CA0] =	vst v63  }
0x49: {  	s25 =	rddreg [dreg:$0x13];
	s26 =	simm.s32 $0x1B0;
	s28 =	simm.s32 $0x4B0  }
0x4a: {  	[tilespmem:s28], [sflag:$0x1] =	stream.indirect.gather [hbm4b:s25+s15], $0x1, s26, s15, $0xb8;
	[tilespmem:$0x18CA0] =	vst v63  }
0x4b: {  	s22 =	rddreg [dreg:$0x14];
	s23 =	simm.s32 $0x1C8;
	s24 =	simm.s32 $0x4C8  }
0x4c: {  	[tilespmem:s24], [sflag:$0x1] =	stream.indirect.gather [hbm4b:s22+s15], $0x1, s23, s15, $0xb8;
	[tilespmem:$0x18CA0] =	vst v63  }
0x4d: {  	s25 =	rddreg [dreg:$0x15];
	s26 =	simm.s32 $0x1E0;
	s28 =	simm.s32 $0x4E0  }
0x4e: {  	[tilespmem:s28], [sflag:$0x1] =	stream.indirect.gather [hbm4b:s25+s15], $0x1, s26, s15, $0xb8;
	[tilespmem:$0x18CA0] =	vst v63  }
0x4f: {  	s22 =	rddreg [dreg:$0x16];
	s23 =	simm.s32 $0x1F8;
	s24 =	simm.s32 $0x4F8  }
0x50: {  	[tilespmem:s24], [sflag:$0x1] =	stream.indirect.gather [hbm4b:s22+s15], $0x1, s23, s15, $0xb8;
	[tilespmem:$0x18CA0] =	vst v63  }
0x51: {  	s25 =	rddreg [dreg:$0x17];
	s26 =	simm.s32 $0x210;
	s28 =	simm.s32 $0x510  }
0x52: {  	[tilespmem:s28], [sflag:$0x1] =	stream.indirect.gather [hbm4b:s25+s15], $0x1, s26, s15, $0xb8;
	[tilespmem:$0x18CA0] =	vst v63  }
0x53: {  	s22 =	simm.s32 $0x228;
	s23 =	simm.s32 $0x528  }
0x54: {  	[tilespmem:s23], [sflag:$0x1] =	stream.indirect.gather [hbm4b:s29+s15], $0x1, s22, s15, $0xb8;
	[tilespmem:$0x18CA0] =	vst v63  }
0x55: {  	s24 =	simm.s32 $0x240;
	s25 =	simm.s32 $0x540  }
0x56: {  	[tilespmem:s25], [sflag:$0x1] =	stream.indirect.gather [hbm4b:s30+s15], $0x1, s24, s15, $0xb8;
	[tilespmem:$0x18CA0] =	vst v63  }
0x57: {  	s26 =	simm.s32 $0x258;
	s28 =	simm.s32 $0x558  }
0x58: {  	[tilespmem:s28], [sflag:$0x1] =	stream.indirect.gather [hbm4b:s31+s15], $0x1, s26, s15, $0xb8;
	[tilespmem:$0x18CA0] =	vst v63  }
0x59: {  	s22 =	simm.s32 $0x270;
	s23 =	simm.s32 $0x570  }
0x5a: {  	[tilespmem:s23], [sflag:$0x1] =	stream.indirect.gather [hbm4b:s0+s15], $0x1, s22, s15, $0xb8;
	[tilespmem:$0x18CA0] =	vst v63  }
0x5b: {  	s24 =	simm.s32 $0x288;
	s25 =	simm.s32 $0x588  }
0x5c: {  	[tilespmem:s25], [sflag:$0x1] =	stream.indirect.gather [hbm4b:s1+s15], $0x1, s24, s15, $0xb8;
	[tilespmem:$0x18CA0] =	vst v63  }
0x5d: {  	s26 =	simm.s32 $0x2A0;
	s28 =	simm.s32 $0x5A0  }
0x5e: {  	[tilespmem:s28], [sflag:$0x1] =	stream.indirect.gather [hbm4b:s6+s15], $0x1, s26, s15, $0xb8;
	[tilespmem:$0x18CA0] =	vst v63  }
0x5f: {  	s22 =	simm.s32 $0x2B8;
	s23 =	simm.s32 $0x5B8  }
0x60: {  	[tilespmem:s23], [sflag:$0x1] =	stream.indirect.gather [hbm4b:s7+s15], $0x1, s22, s15, $0xb8;
	[tilespmem:$0x18CA0] =	vst v63  }
0x61: {  	s24 =	simm.s32 $0x2D0;
	s25 =	simm.s32 $0x5D0  }
0x62: {  	[tilespmem:s25], [sflag:$0x1] =	stream.indirect.gather [hbm4b:s8+s15], $0x1, s24, s15, $0xb8;
	[tilespmem:$0x18CA0] =	vst v63  }
0x63: {  	s26 =	simm.s32 $0x2E8;
	s28 =	simm.s32 $0x5E8  }
0x64: {  	[tilespmem:s28], [sflag:$0x1] =	stream.indirect.gather [hbm4b:s9+s15], $0x1, s26, s15, $0xb8;
	[tilespmem:$0x18CA0] =	vst v63  }
0x65: {  	p0 =	por $0x0, $0x0;
	s21 =	simm.s32 $0x0  }
0x66: {  	v0 =	vimm.f32 $0.0e+00;
	[tilespmem:s17], [sflag:$0x2] =	stream.linear.gather [hbm4b:s5+s2], $0xC350, $0x38;
	[tilespmem:$0x18CA0] =	vst v63  }
.LBB2_2:
0x67: {  	s22 =	simm.s32 $0x1;
	s23 =	sand.u32 $0x1, s21;
	s21 =	sadd.s32 $0x1, s21  }
0x68: {  	s22 =	simm.s32 @!p0 $0x0;
	s24 =	sshrl.u32 s21, $0x1  }
0x69: {  	s25 =	sand.u32 $0x1, s21;
	s22 =	smul.u32 $0x30D40, s22;
	s24 =	sand.u32 $0x1F, s24  }
0x6a: {  	s26 =	smul.u32 $0x30D40, s25;
	s28 =	sor.u32 $0x2, s25;
	s24 =	sor.u32 s4, s24  }
0x6b: {  	p1 =	seq.s32 s25, $0x1;
	s25 =	simm.s32 $0x186A;
	s24 =	smul.u32 $0x30D4, s24  }
0x6c: {  	s25 =	simm.s32 @!p1 $0x0;
	s22 =	sshrl.u32 s22, $0x2  }
0x6d: {  	s26 =	sshrl.u32 s26, $0x2;
	s22 =	sadd.s32 $0x6C0, s22;
	s24 =	sadd.s32 s3, s24  }
0x6e: {  	s26 =	sadd.s32 $0x600, s26;
	s24 =	sadd.s32 s25, s24;
	s25 =	simm.s32 $0x0  }
0x6f: {  	v1 =	vmov s22;
	[tilespmem:s26], [sflag:s28] =	stream.linear.gather [hbm4b:s24+s25], $0xC350, $0x38;
	[tilespmem:$0x18CA0] =	vst v63  }
0x70: {  	s28 =	sor.u32 $0x2, s23  }
0x71: {  	_ =	swait.ge [sflag:s28], $0xC350  }
0x72: {  	[sflag:s28] =	ssyncset.done $0x0  }
0x73: {  	s22 =	simm.s32 $0x0;
	[sflag:s28] =	ssyncadd.s32 $0xFFFF3CB0  }
0x74: {  	v7 =	vld.idx.msk [tilespmem:v1+s22+$0x50 ss:$0x1], $0xffff  }
0x75: {  	v5 =	vld.idx.msk [tilespmem:v1+s22+$0x60 ss:$0x1], $0xffff  }
0x76: {  	v6 =	vld.idx.msk [tilespmem:v1+s22+$0x70 ss:$0x1], $0xffff  }
0x77: {  	v4 =	vld.idx.msk [tilespmem:v1+s22+$0x80 ss:$0x1], $0xffff  }
0x78: {  	v3 =	vld.idx.msk [tilespmem:v1+s22+$0x90 ss:$0x1], $0xffff  }
0x79: {  	v2 =	vld.idx.msk [tilespmem:v1+s22+$0xA0 ss:$0x1], $0xffff  }
0x7a: {  	v21 =	vld.idx.msk [tilespmem:v1+s22+$0xFFFFFFD0 ss:$0x1], $0xffff  }
0x7b: {  	v19 =	vld.idx.msk [tilespmem:v1+s22+$0xFFFFFFE0 ss:$0x1], $0xffff  }
0x7c: {  	v18 =	vld.idx.msk [tilespmem:v1+s22+$0xFFFFFFF0 ss:$0x1], $0xffff  }
0x7d: {  	v17 =	vld.idx.msk [tilespmem:v1+s22+$0x0 ss:$0x1], $0xffff  }
0x7e: {  	v8 =	vld.idx.msk [tilespmem:v1+s22+$0x10 ss:$0x1], $0xffff  }
0x7f: {  	v27 =	vld.idx.msk [tilespmem:v1+s22+$0xFFFFFF50 ss:$0x1], $0xffff  }
0x80: {  	v26 =	vld.idx.msk [tilespmem:v1+s22+$0xFFFFFF60 ss:$0x1], $0xffff  }
0x81: {  	v25 =	vld.idx.msk [tilespmem:v1+s22+$0xFFFFFF70 ss:$0x1], $0xffff  }
0x82: {  	v24 =	vld.idx.msk [tilespmem:v1+s22+$0xFFFFFF80 ss:$0x1], $0xffff  }
0x83: {  	v16 =	vimm.f32 $0.0e+00;
	v15 =	vimm.f32 $0.0e+00;
	v12 =	vld.idx.msk [tilespmem:v1+s22+$0x20 ss:$0x1], $0xffff  }
0x84: {  	v14 =	vimm.f32 $0.0e+00;
	v13 =	vimm.f32 $0.0e+00;
	v23 =	vimm.f32 $0.0e+00;
	v20 =	vld.idx.msk [tilespmem:v1+s22+$0xFFFFFF90 ss:$0x1], $0xffff  }
0x85: {  	v11 =	vimm.f32 $0.0e+00;
	v10 =	vimm.f32 $0.0e+00;
	v9 =	vimm.f32 $0.0e+00;
	s23 =	simm.s32 $0x640;
	v22 =	vld.idx.msk [tilespmem:v1+s22+$0xFFFFFFA0 ss:$0x1], $0xffff  }
.LBB2_3:
0x86: {  	p1 =	sne.s32 s23, $0x30700;
	v28 =	vld.idx.msk [tilespmem:v1+s22+$0xFFFFFF40 ss:$0x1], $0xffff;
	v16 =	vadd.f32 v27, v16  }
0x87: {  	v15 =	vadd.f32 v26, v15;
	v14 =	vadd.f32 v25, v14;
	v25 =	vld.idx.msk [tilespmem:v1+s22+$0xFFFFFFB0 ss:$0x1], $0xffff  }
0x88: {  	v13 =	vadd.f32 v24, v13;
	v24 =	vld.idx.msk [tilespmem:v1+s22+$0xFFFFFFC0 ss:$0x1], $0xffff;
	v16 =	vadd.f32 v21, v16  }
0x89: {  	v15 =	vadd.f32 v19, v15;
	v14 =	vadd.f32 v18, v14;
	v18 =	vld.idx.msk [tilespmem:v1+s22+$0x30 ss:$0x1], $0xffff  }
0x8a: {  	v13 =	vadd.f32 v17, v13;
	v17 =	vld.idx.msk [tilespmem:v1+s22+$0x40 ss:$0x1], $0xffff;
	v16 =	vadd.f32 v7, v16  }
0x8b: {  	v15 =	vadd.f32 v5, v15;
	v14 =	vadd.f32 v6, v14;
	v19 =	vld.idx.msk [tilespmem:v1+s22+$0xB0 ss:$0x1], $0xffff  }
0x8c: {  	v6 =	vadd.f32 v28, v23;
	v13 =	vadd.f32 v4, v13;
	v21 =	vld.idx.msk [tilespmem:v1+s22+$0xC0 ss:$0x1], $0xffff;
	s22 =	sshra.s32 s23, $0x2  }
0x8d: {  	v10 =	vadd.f32 v22, v10;
	v4 =	vadd.f32 v20, v11;
	v7 =	vld.idx.msk [tilespmem:v1+s22+$0x50 ss:$0x1], $0xffff  }
0x8e: {  	v9 =	vadd.f32 v25, v9;
	v11 =	vadd.f32 v24, v6;
	v5 =	vld.idx.msk [tilespmem:v1+s22+$0x60 ss:$0x1], $0xffff  }
0x8f: {  	v10 =	vadd.f32 v12, v10;
	v8 =	vadd.f32 v8, v4;
	v6 =	vld.idx.msk [tilespmem:v1+s22+$0x70 ss:$0x1], $0xffff  }
0x90: {  	v9 =	vadd.f32 v18, v9;
	v12 =	vadd.f32 v17, v11;
	v4 =	vld.idx.msk [tilespmem:v1+s22+$0x80 ss:$0x1], $0xffff  }
0x91: {  	v10 =	vadd.f32 v2, v10;
	v11 =	vadd.f32 v3, v8;
	v3 =	vld.idx.msk [tilespmem:v1+s22+$0x90 ss:$0x1], $0xffff  }
0x92: {  	v9 =	vadd.f32 v19, v9;
	v23 =	vadd.f32 v21, v12;
	v2 =	vld.idx.msk [tilespmem:v1+s22+$0xA0 ss:$0x1], $0xffff  }
0x93: {  	v21 =	vld.idx.msk [tilespmem:v1+s22+$0xFFFFFFD0 ss:$0x1], $0xffff  }
0x94: {  	v19 =	vld.idx.msk [tilespmem:v1+s22+$0xFFFFFFE0 ss:$0x1], $0xffff  }
0x95: {  	v18 =	vld.idx.msk [tilespmem:v1+s22+$0xFFFFFFF0 ss:$0x1], $0xffff  }
0x96: {  	v17 =	vld.idx.msk [tilespmem:v1+s22+$0x0 ss:$0x1], $0xffff  }
0x97: {  	v8 =	vld.idx.msk [tilespmem:v1+s22+$0x10 ss:$0x1], $0xffff  }
0x98: {  	v27 =	vld.idx.msk [tilespmem:v1+s22+$0xFFFFFF50 ss:$0x1], $0xffff  }
0x99: {  	v26 =	vld.idx.msk [tilespmem:v1+s22+$0xFFFFFF60 ss:$0x1], $0xffff  }
.Ltmp0:
0x9a: {  	v25 =	vld.idx.msk [tilespmem:v1+s22+$0xFFFFFF70 ss:$0x1], $0xffff;
	(pc) =	sbr.rel @p1 .LBB2_3-.Ltmp0, $4  }
0x9b: {  	v24 =	vld.idx.msk [tilespmem:v1+s22+$0xFFFFFF80 ss:$0x1], $0xffff  }
0x9c: {  	v12 =	vld.idx.msk [tilespmem:v1+s22+$0x20 ss:$0x1], $0xffff  }
0x9d: {  	v20 =	vld.idx.msk [tilespmem:v1+s22+$0xFFFFFF90 ss:$0x1], $0xffff  }
0x9e: {  	s23 =	sadd.s32 $0x640, s23;
	v22 =	vld.idx.msk [tilespmem:v1+s22+$0xFFFFFFA0 ss:$0x1], $0xffff  }
0x9f: {  	_ =	sdelay $0x3  }
0xa0: {  	v28 =	vld.idx.msk [tilespmem:v1+s22+$0xFFFFFF40 ss:$0x1], $0xffff;
	_ =	sdelay $0x1  }
0xa1: {  	v29 =	vld.idx.msk [tilespmem:v1+s22+$0xFFFFFFC0 ss:$0x1], $0xffff;
	_ =	sdelay $0x1  }
0xa2: {  	v30 =	vld.idx.msk [tilespmem:v1+s22+$0x40 ss:$0x1], $0xffff  }
0xa3: {  	v23 =	vadd.f32 v28, v23  }
0xa4: {  	v56 =	vld.idx.msk [tilespmem:v1+s22+$0xC0 ss:$0x1], $0xffff  }
0xa5: {  	v16 =	vadd.f32 v27, v16;
	v23 =	vadd.f32 v29, v23  }
0xa6: {  	v15 =	vadd.f32 v26, v15  }
0xa7: {  	v16 =	vadd.f32 v21, v16;
	v57 =	vadd.f32 v30, v23  }
0xa8: {  	v14 =	vadd.f32 v25, v14;
	v15 =	vadd.f32 v19, v15  }
0xa9: {  	v7 =	vadd.f32 v7, v16;
	v58 =	vadd.f32 v56, v57  }
0xaa: {  	v13 =	vadd.f32 v24, v13;
	v14 =	vadd.f32 v18, v14  }
0xab: {  	v59 =	vld.idx.msk [tilespmem:v1+s22+$0xFFFFFFB0 ss:$0x1], $0xffff;
	v5 =	vadd.f32 v5, v15;
	v7 =	vadd.f32 v7, v58  }
0xac: {  	v13 =	vadd.f32 v17, v13;
	v11 =	vadd.f32 v20, v11  }
0xad: {  	v60 =	vld.idx.msk [tilespmem:v1+s22+$0x30 ss:$0x1], $0xffff;
	v6 =	vadd.f32 v6, v14;
	v5 =	vadd.f32 v5, v7  }
0xae: {  	v61 =	vadd.f32 v22, v10;
	v8 =	vadd.f32 v8, v11  }
0xaf: {  	v4 =	vadd.f32 v4, v13;
	v5 =	vadd.f32 v6, v5  }
0xb0: {  	v1 =	vld.idx.msk [tilespmem:v1+s22+$0xB0 ss:$0x1], $0xffff;
	v62 =	vadd.f32 v59, v9;
	v3 =	vadd.f32 v3, v8  }
0xb1: {  	v7 =	vadd.f32 v12, v61;
	v4 =	vadd.f32 v4, v5  }
0xb2: {  	v63 =	vadd.f32 v60, v62  }
0xb3: {  	v2 =	vadd.f32 v2, v7;
	v3 =	vadd.f32 v3, v4  }
0xb4: {  	p1 =	sne.s32 s21, $0x40  }
.Ltmp1:
0xb5: {  	v1 =	vadd.f32 v1, v63;
	v2 =	vadd.f32 v2, v3;
	(pc) =	sbr.rel @p1 .LBB2_2-.Ltmp1, $3  }
0xb6: {  	_ = 	snop  }
0xb7: {  	v1 =	vadd.f32 v1, v2;
	_ =	sdelay $0x1  }
0xb8: {  	p0 =	por !p0, !p0;
	v0 =	vadd.f32 v1, v0  }
0xb9: {  	_ =	swait.ge [sflag:s19], $0xC350  }
0xba: {  	[sflag:s19] =	ssyncset.done $0x0  }
0xbb: {  	[sflag:s19] =	ssyncadd.s32 $0xFFFF3CB0  }
0xbc: {  	[tilespmem:$0x600] =	vst v0  }
0xbd: {  	[hbm4b:s10+s2] =	stream.linear.scatter [tilespmem:s17], [sflag:$0x4], $0x10, $0x38;
	[tilespmem:$0x18CA0] =	vst v63  }
0xbe: {  	_ =	swait.ge [sflag:s14], $0x10  }
0xbf: {  	[sflag:s14] =	ssyncset.done $0x0  }
0xc0: {  	[sflag:s14] =	ssyncadd.s32 $0xFFFFFFF0  }
0xc1: {  	_ =	swait.ge [sflag:s18], $0x14  }
0xc2: {  	[sflag:s18] =	ssyncset.done $0x0  }
0xc3: {  	[sflag:s18] =	ssyncadd.s32 $0xFFFFFFEC  }
0xc4: {  	_ =	swait.ge [sflag:s18], $0x14  }
0xc5: {  	[sflag:s18] =	ssyncset.done $0x0  }
0xc6: {  	[sflag:s18] =	ssyncadd.s32 $0xFFFFFFEC  }
0xc7: {  	_ =	swait.ge [sflag:s18], $0x14  }
0xc8: {  	[sflag:s18] =	ssyncset.done $0x0  }
0xc9: {  	[sflag:s18] =	ssyncadd.s32 $0xFFFFFFEC  }
0xca: {  	_ =	swait.ge [sflag:s18], $0x14  }
0xcb: {  	[sflag:s18] =	ssyncset.done $0x0  }
0xcc: {  	[sflag:s18] =	ssyncadd.s32 $0xFFFFFFEC  }
0xcd: {  	_ =	swait.ge [sflag:s18], $0x14  }
0xce: {  	[sflag:s18] =	ssyncset.done $0x0  }
0xcf: {  	[sflag:s18] =	ssyncadd.s32 $0xFFFFFFEC  }
0xd0: {  	_ =	swait.ge [sflag:s18], $0x14  }
0xd1: {  	[sflag:s18] =	ssyncset.done $0x0  }
0xd2: {  	[sflag:s18] =	ssyncadd.s32 $0xFFFFFFEC  }
0xd3: {  	_ =	swait.ge [sflag:s18], $0x14  }
0xd4: {  	[sflag:s18] =	ssyncset.done $0x0  }
0xd5: {  	[sflag:s18] =	ssyncadd.s32 $0xFFFFFFEC  }
0xd6: {  	_ =	swait.ge [sflag:s18], $0x14  }
0xd7: {  	[sflag:s18] =	ssyncset.done $0x0  }
0xd8: {  	[sflag:s18] =	ssyncadd.s32 $0xFFFFFFEC  }
0xd9: {  	_ =	swait.ge [sflag:s18], $0x14  }
0xda: {  	[sflag:s18] =	ssyncset.done $0x0  }
0xdb: {  	[sflag:s18] =	ssyncadd.s32 $0xFFFFFFEC  }
0xdc: {  	_ =	swait.ge [sflag:s18], $0x14  }
0xdd: {  	[sflag:s18] =	ssyncset.done $0x0  }
0xde: {  	[sflag:s18] =	ssyncadd.s32 $0xFFFFFFEC  }
0xdf: {  	_ =	swait.ge [sflag:s18], $0x14  }
0xe0: {  	[sflag:s18] =	ssyncset.done $0x0  }
0xe1: {  	[sflag:s18] =	ssyncadd.s32 $0xFFFFFFEC  }
0xe2: {  	_ =	swait.ge [sflag:s18], $0x14  }
0xe3: {  	[sflag:s18] =	ssyncset.done $0x0  }
0xe4: {  	[sflag:s18] =	ssyncadd.s32 $0xFFFFFFEC  }
0xe5: {  	_ =	swait.ge [sflag:s18], $0x14  }
0xe6: {  	[sflag:s18] =	ssyncset.done $0x0  }
0xe7: {  	[sflag:s18] =	ssyncadd.s32 $0xFFFFFFEC  }
0xe8: {  	_ =	swait.ge [sflag:s18], $0x14  }
0xe9: {  	[sflag:s18] =	ssyncset.done $0x0  }
0xea: {  	[sflag:s18] =	ssyncadd.s32 $0xFFFFFFEC  }
0xeb: {  	_ =	swait.ge [sflag:s18], $0x14  }
0xec: {  	[sflag:s18] =	ssyncset.done $0x0  }
0xed: {  	[sflag:s18] =	ssyncadd.s32 $0xFFFFFFEC  }
0xee: {  	_ =	swait.ge [sflag:s18], $0x14  }
0xef: {  	[sflag:s18] =	ssyncset.done $0x0  }
0xf0: {  	[sflag:s18] =	ssyncadd.s32 $0xFFFFFFEC  }
0xf1: {  	_ =	swait.ge [sflag:s18], $0x14  }
0xf2: {  	[sflag:s18] =	ssyncset.done $0x0  }
0xf3: {  	[sflag:s18] =	ssyncadd.s32 $0xFFFFFFEC  }
0xf4: {  	_ =	swait.ge [sflag:s18], $0x14  }
0xf5: {  	[sflag:s18] =	ssyncset.done $0x0  }
0xf6: {  	[sflag:s18] =	ssyncadd.s32 $0xFFFFFFEC  }
0xf7: {  	_ =	swait.ge [sflag:s18], $0x14  }
0xf8: {  	[sflag:s18] =	ssyncset.done $0x0  }
0xf9: {  	[sflag:s18] =	ssyncadd.s32 $0xFFFFFFEC  }
0xfa: {  	_ =	swait.ge [sflag:s18], $0x14  }
0xfb: {  	[sflag:s18] =	ssyncset.done $0x0  }
0xfc: {  	[sflag:s18] =	ssyncadd.s32 $0xFFFFFFEC  }
0xfd: {  	_ =	swait.ge [sflag:s18], $0x14  }
0xfe: {  	[sflag:s18] =	ssyncset.done $0x0  }
0xff: {  	[sflag:s18] =	ssyncadd.s32 $0xFFFFFFEC  }
0x100: {  	_ =	swait.ge [sflag:s18], $0x14  }
0x101: {  	[sflag:s18] =	ssyncset.done $0x0  }
0x102: {  	[sflag:s18] =	ssyncadd.s32 $0xFFFFFFEC  }
0x103: {  	_ =	swait.ge [sflag:s18], $0x14  }
0x104: {  	[sflag:s18] =	ssyncset.done $0x0  }
0x105: {  	[sflag:s18] =	ssyncadd.s32 $0xFFFFFFEC  }
0x106: {  	_ =	swait.ge [sflag:s18], $0x14  }
0x107: {  	[sflag:s18] =	ssyncset.done $0x0  }
0x108: {  	[sflag:s18] =	ssyncadd.s32 $0xFFFFFFEC  }
0x109: {  	_ =	swait.ge [sflag:s18], $0x14  }
0x10a: {  	[sflag:s18] =	ssyncset.done $0x0  }
0x10b: {  	[sflag:s18] =	ssyncadd.s32 $0xFFFFFFEC  }
0x10c: {  	_ =	swait.ge [sflag:s18], $0x14  }
0x10d: {  	[sflag:s18] =	ssyncset.done $0x0  }
0x10e: {  	[sflag:s18] =	ssyncadd.s32 $0xFFFFFFEC  }
0x10f: {  	_ =	swait.ge [sflag:s18], $0x14  }
0x110: {  	[sflag:s18] =	ssyncset.done $0x0  }
0x111: {  	[sflag:s18] =	ssyncadd.s32 $0xFFFFFFEC  }
0x112: {  	_ =	swait.ge [sflag:s18], $0x14  }
0x113: {  	[sflag:s18] =	ssyncset.done $0x0  }
0x114: {  	[sflag:s18] =	ssyncadd.s32 $0xFFFFFFEC  }
0x115: {  	_ =	swait.ge [sflag:s18], $0x14  }
0x116: {  	[sflag:s18] =	ssyncset.done $0x0  }
0x117: {  	[sflag:s18] =	ssyncadd.s32 $0xFFFFFFEC  }
0x118: {  	_ =	swait.ge [sflag:s18], $0x14  }
0x119: {  	[sflag:s18] =	ssyncset.done $0x0  }
0x11a: {  	[sflag:s18] =	ssyncadd.s32 $0xFFFFFFEC  }
0x11b: {  	_ =	swait.ge [sflag:s18], $0x14  }
0x11c: {  	[sflag:s18] =	ssyncset.done $0x0  }
0x11d: {  	[sflag:s18] =	ssyncadd.s32 $0xFFFFFFEC  }
0x11e: {  	s20 =	sadd.s32 $0x1, s20;
	_ =	swait.ge [sflag:s18], $0x14  }
0x11f: {  	p0 =	sne.s32 s20, s13;
	[sflag:s18] =	ssyncset.done $0x0  }
.Ltmp2:
0x120: {  	[sflag:s18] =	ssyncadd.s32 $0xFFFFFFEC;
	(pc) =	sbr.rel @p0 .LBB2_1-.Ltmp2, $4  }
0x121: {  	[hbm4b:s12+s2] =	stream.linear.scatter [tilespmem:s16], [sflag:$0x4], $0x300, $0x38;
	[tilespmem:$0x18CA0] =	vst v63  }
0x122: {  	_ =	swait.ge [sflag:s14], $0x300  }
0x123: {  	[sflag:s14] =	ssyncset.done $0x0  }
0x124: {  	[sflag:s14] =	ssyncadd.s32 $0xFFFFFD00  }
0x125: {  	_ =	sfence.sel $0x180000  }
0x126: {  	[bflag:$0x0] =	sbarrier.arrive $0xFFFF  }
0x127: {  	_ =	strace $0x90000047  }
0x128: {  	s0 =	stileid.u32;
	[bflag:$0x2] =	sbarrier.arrive $0xFFFF  }
0x129: {  	p0 =	sne.s32 s0, $0x0;
	s0 =	rddreg [dreg:$0x1]  }
0x12a: {  	s0 =	sadd.s32 @!p0 $0x100000, s0  }
0x12b: {  	[sflag:s0] =	ssyncadd.tile.s32 @!p0 $0x1;
	_ =	shalt  }
.Lfunc_end2:
_tile_overlayer_lowered:
.L_overlay_start_2:
0x12c: {  	(tag) =	ssettag $0x2  }
0x12d: {  	s0 =	rddreg [dreg:$0x0];
	s2 =	stileid.u32  }
0x12e: {  	s1 =	rddreg [dreg:$0x1];
	p0 =	sne.s32 s2, $0x0  }
0x12f: {  	s3 =	rddreg [dreg:$0x2];
	[bflag:$0x3] =	sbarrier.arrive $0xFFFF;
	s2 =	simm.s32 @!p0 $0x1C04  }
0x130: {  	[timem:s3], [sflag:s2] =	dma.local @!p0 [hbm:s0], s1  }
0x131: {  	s0 =	simm.s32 @!p0 $0x4  }
0x132: {  	_ =	swait.ge @!p0 [sflag:s0], s1  }
0x133: {  	s1 =	ssub.s32 @!p0 $0x0, s1;
	[sflag:s0] =	ssyncset.done @!p0 $0x0  }
0x134: {  	[sflag:s0] =	ssyncadd.s32 @!p0 s1  }
0x135: {  	[bflag:$0x3] =	sbarrier.arrive $0xFFFF  }
0x136: {  	_ =	shalt  }

</sc_bundles>
